<compile_context>
chip_gen: v7x
topology: tpu7x:2x2x1
jax: 0.10.2.dev20260603
libtpu: 0.0.44.dev20260713+nightly
codegen_flags: <defaults>
</compile_context>

<pallas_src>
import functools

import jax
import jax.numpy as jnp
from jax import lax
from jax.experimental import pallas as pl
from jax.experimental.pallas import tpu as pltpu
from jax.experimental.pallas import tpu_sc as plsc

B, C, L = 32, 256, 576
K = 8192
N = B * L
KC = 512
NKC = K // KC
NW = 32
ROWS_PER_W = N // NW
CH = 96
NCH = ROWS_PER_W // CH
BETA = 0.25


def _argmin_body(x_ref, emb_ref, idx_ref, loss_ref, e2_ref, ee_ref):
    b = pl.program_id(0)

    @pl.when(b == 0)
    def _():
        e = emb_ref[...]
        e2_ref[...] = e + e
        ee_ref[...] = jnp.sum(e * e, axis=1)[None, :]

    xb = x_ref[0]
    xx = jnp.sum(xb * xb, axis=0)
    xxb = jnp.broadcast_to(xx[:, None], (L, KC))

    rmin = None
    rkc = None
    for kc in range(NKC):
        e2 = e2_ref[pl.ds(kc * KC, KC), :]
        ee = ee_ref[0, pl.ds(kc * KC, KC)]
        dots2 = lax.dot_general(
            xb, e2, (((0,), (1,)), ((), ())),
            preferred_element_type=jnp.float32,
        )
        d2 = (xxb + ee[None, :]) - dots2
        if rmin is None:
            rmin, rkc = d2, jnp.zeros((L, KC), jnp.int32)
        else:
            upd = d2 < rmin
            rmin = jnp.minimum(d2, rmin)
            rkc = jnp.where(upd, kc, rkc)

    minval = jnp.min(rmin, axis=1)
    j = lax.broadcasted_iota(jnp.int32, (L, KC), 1)
    gk = rkc * KC + j
    cand = jnp.where(rmin == minval[:, None], gk, K)
    idx_ref[0, 0, :] = jnp.min(cand, axis=1)

    @pl.when(b == 0)
    def _():
        loss_ref[0, 0] = 0.0

    loss_ref[0, 0] += jnp.sum(jnp.maximum(minval, 0.0))

    @pl.when(b == B - 1)
    def _():
        q = loss_ref[0, 0] / jnp.float32(N * C)
        loss_ref[0, 0] = q + BETA * q


def _argmin_call(x, emb_w):
    return pl.pallas_call(
        _argmin_body,
        grid=(B,),
        in_specs=[
            pl.BlockSpec((1, C, L), lambda b: (b, 0, 0)),
            pl.BlockSpec((K, C), lambda b: (0, 0)),
        ],
        out_specs=[
            pl.BlockSpec((1, 1, L), lambda b: (b, 0, 0)),
            pl.BlockSpec(block_shape=(1, 1), index_map=lambda b: (0, 0),
                         memory_space=pltpu.SMEM),
        ],
        out_shape=[
            jax.ShapeDtypeStruct((B, 1, L), jnp.int32),
            jax.ShapeDtypeStruct((1, 1), jnp.float32),
        ],
        scratch_shapes=[
            pltpu.VMEM((K, C), jnp.float32),
            pltpu.VMEM((1, K), jnp.float32),
        ],
        compiler_params=pltpu.CompilerParams(
            dimension_semantics=("arbitrary",),
        ),
    )(x, emb_w)


def _gather_body(emb_hbm, idx_hbm, out_hbm,
                 idx_v0, idx_v1, rows_v0, rows_v1, sem0, sem1):
    wid = lax.axis_index("s") * 2 + lax.axis_index("c")
    base = wid * ROWS_PER_W
    idx_v = (idx_v0, idx_v1)
    rows_v = (rows_v0, rows_v1)
    sem = (sem0, sem1)
    pltpu.sync_copy(idx_hbm.at[pl.ds(base, CH)], idx_v0)
    cp = pltpu.async_copy(emb_hbm.at[idx_v0], rows_v0, sem0)
    for ch in range(1, NCH):
        p = ch % 2
        off = base + ch * CH
        pltpu.sync_copy(idx_hbm.at[pl.ds(off, CH)], idx_v[p])
        nxt = pltpu.async_copy(emb_hbm.at[idx_v[p]], rows_v[p], sem[p])
        cp.wait()
        pltpu.sync_copy(rows_v[1 - p], out_hbm.at[pl.ds(off - CH, CH)])
        cp = nxt
    cp.wait()
    pltpu.sync_copy(rows_v[(NCH - 1) % 2],
                    out_hbm.at[pl.ds(base + (NCH - 1) * CH, CH)])


def _gather_call(emb_w, idx_flat):
    call = functools.partial(
        pl.kernel,
        out_type=jax.ShapeDtypeStruct((N, C), jnp.float32),
        mesh=plsc.VectorSubcoreMesh(core_axis_name="c", subcore_axis_name="s",
                                    num_cores=2, num_subcores=16),
        scratch_types=[
            pltpu.VMEM((CH,), jnp.int32),
            pltpu.VMEM((CH,), jnp.int32),
            pltpu.VMEM((CH, C), jnp.float32),
            pltpu.VMEM((CH, C), jnp.float32),
            pltpu.SemaphoreType.DMA,
            pltpu.SemaphoreType.DMA,
        ],
    )(_gather_body)
    return call(emb_w, idx_flat)


def kernel(x, emb_w):
    idx3, loss = _argmin_call(x, emb_w)
    idxs = idx3.reshape(B, L)
    x_q = _gather_call(emb_w, idxs.reshape(N))
    x_q_out = jnp.transpose(x_q.reshape(B, L, C), (0, 2, 1))
    return (x_q_out, idxs, loss.reshape(()))

# --- scband reference (transcript-rebuilt; emitter-appended) ---
"""Pipeline reference for scband-vector-quantized-24893630448036 (READ-ONLY COPY).

The authoritative reference and input builder live on the scoring server;
editing this copy changes nothing except your own understanding.
"""

import jax, jax.numpy as jnp
import numpy as np

NUM_EMB = 8192
IN_DIM = 256
BETA = 0.25


def setup_inputs(seed: int = 0) -> dict:
    key = jax.random.key(seed)
    k1, k2 = jax.random.split(key)
    x = jax.random.normal(k1, (32, 256, 576), dtype=jnp.float32)
    emb_w = jax.random.normal(k2, (NUM_EMB, IN_DIM), dtype=jnp.float32)
    return {"x": x, "emb_w": emb_w}


def reference(x, emb_w):
    # VectorQuantized with vq_mode='vq' -> VQ.forward
    x_in = x
    B, C, L = x_in.shape  # in_dim == C == 256
    # x_in.unsqueeze(1).transpose(1,-1).squeeze(-1): [B,C,L] -> [B,L,C]
    xt = jnp.transpose(x_in, (0, 2, 1))
    x_shape = xt.shape
    x_flat = xt.reshape(-1, C)
    # torch.cdist (p=2) between x_flat [N, C] and emb_w [K, C]
    d2 = (jnp.sum(x_flat ** 2, axis=-1, keepdims=True)
          + jnp.sum(emb_w ** 2, axis=-1)[None, :]
          - 2.0 * (x_flat @ emb_w.T))
    dist = jnp.sqrt(jnp.maximum(d2, 0.0))
    idxs = jnp.argmin(dist, axis=-1).reshape(x_shape[:-1])  # [B, L]
    x_q = jnp.take(emb_w, idxs, axis=0)  # [B, L, C]
    q_loss = jnp.mean((x_q - jax.lax.stop_gradient(xt)) ** 2)
    e_loss = jnp.mean((xt - jax.lax.stop_gradient(x_q)) ** 2)
    vq_loss = q_loss + BETA * e_loss
    # x_q.unsqueeze(1).transpose(1,-1).squeeze(-1): [B,L,C] -> [B,C,L]
    x_q_t = jnp.transpose(x_q, (0, 2, 1))
    x_q_out = x_in + jax.lax.stop_gradient(x_q_t - x_in)
    return (x_q_out, idxs, vq_loss)

if __name__ == "__main__":
    import jax
    _d = setup_inputs()
    print(jax.jit(kernel)(*tuple(_d.values())))

</pallas_src>

<mosaic_0001>
#map = affine_map<(d0, d1) -> (0, 0)>
#map1 = affine_map<(d0, d1) -> (0)>
module attributes {stable_mosaic.version = 14 : i64} {
  func.func @_gather_body(%arg0: i32, %arg1: i32, %arg2: memref<8192x256xf32, #tpu.memory_space<hbm>>, %arg3: memref<18432xi32, #tpu.memory_space<hbm>>, %arg4: memref<18432x256xf32, #tpu.memory_space<hbm>>, %arg5: memref<96xi32, #tpu.memory_space<vmem>>, %arg6: memref<96xi32, #tpu.memory_space<vmem>>, %arg7: memref<96x256xf32, #tpu.memory_space<vmem>>, %arg8: memref<96x256xf32, #tpu.memory_space<vmem>>, %arg9: memref<!tpu.dma_semaphore, #tpu.memory_space<semaphore_mem>>, %arg10: memref<!tpu.dma_semaphore, #tpu.memory_space<semaphore_mem>>) attributes {dimension_semantics = [#tpu.dimension_semantics<core_parallel>, #tpu.dimension_semantics<subcore_parallel>], iteration_bounds = array<i64: 2, 16>, scalar_prefetch = 0 : i64, scratch_operands = 6 : i64, tpu.core_type = #tpu.core_type<sc_vector_subcore>, window_params = [{transform_indices = #map}, {transform_indices = #map1}, {transform_indices = #map}]} {
    %mul3A = arith.constant 2 : i32
    %mul3A_0 = arith.muli %arg1, %mul3A : i32
    %add3A = arith.addi %mul3A_0, %arg0 : i32
    %mul3A_1 = arith.constant 576 : i32
    %mul3A_2 = arith.muli %add3A, %mul3A_1 : i32
    "tpu.region"() ({
      %run_scoped3A = tpu.sem_alloc : memref<!tpu.dma_semaphore, #tpu.memory_space<semaphore_mem>>
      %dma_start3A_58 = tpu.memref_slice %arg3[%mul3A_2] : memref<18432xi32, #tpu.memory_space<hbm>> -> memref<96xi32, #tpu.memory_space<hbm>>
      %dma_start3A_59 = tpu.memref_slice %arg3[%mul3A_2] : memref<18432xi32, #tpu.memory_space<hbm>> -> memref<96xi32, #tpu.memory_space<hbm>>
      tpu.enqueue_dma source(%dma_start3A_59 : memref<96xi32, #tpu.memory_space<hbm>>) target(%arg5 : memref<96xi32, #tpu.memory_space<vmem>>) target_semaphore(%run_scoped3A : memref<!tpu.dma_semaphore, #tpu.memory_space<semaphore_mem>>)
      %dma_wait3A_60 = tpu.memref_slice %arg3[%mul3A_2] : memref<18432xi32, #tpu.memory_space<hbm>> -> memref<96xi32, #tpu.memory_space<hbm>>
      %dma_wait3A_61 = tpu.memref_slice %arg3[%mul3A_2] : memref<18432xi32, #tpu.memory_space<hbm>> -> memref<96xi32, #tpu.memory_space<hbm>>
      tpu.wait_dma2 semaphore(%run_scoped3A : memref<!tpu.dma_semaphore, #tpu.memory_space<semaphore_mem>>) src(%dma_wait3A_61 : memref<96xi32, #tpu.memory_space<hbm>>) dst(%arg5 : memref<96xi32, #tpu.memory_space<vmem>>)
      tpu.yield
    }) : () -> ()
    %dma_start3A = arith.constant 0 : i32
    %dma_start3A_3 = arith.constant 0 : i32
    %dma_start3A_4 = tpu.memref_slice %arg2[%dma_start3A, %dma_start3A_3] : memref<8192x256xf32, #tpu.memory_space<hbm>> -> memref<8192x256xf32, #tpu.memory_space<hbm>>
    tpu.enqueue_indirect_dma source(%dma_start3A_4 : memref<8192x256xf32, #tpu.memory_space<hbm>>) target(%arg7 : memref<96x256xf32, #tpu.memory_space<vmem>>) offsets(%arg5 : memref<96xi32, #tpu.memory_space<vmem>>) semaphore(%arg9 : memref<!tpu.dma_semaphore, #tpu.memory_space<semaphore_mem>>)
    %add3A_5 = arith.constant 96 : i32
    %add3A_6 = arith.addi %mul3A_2, %add3A_5 : i32
    "tpu.region"() ({
      %run_scoped3A = tpu.sem_alloc : memref<!tpu.dma_semaphore, #tpu.memory_space<semaphore_mem>>
      %dma_start3A_58 = tpu.memref_slice %arg3[%add3A_6] : memref<18432xi32, #tpu.memory_space<hbm>> -> memref<96xi32, #tpu.memory_space<hbm>>
      %dma_start3A_59 = tpu.memref_slice %arg3[%add3A_6] : memref<18432xi32, #tpu.memory_space<hbm>> -> memref<96xi32, #tpu.memory_space<hbm>>
      tpu.enqueue_dma source(%dma_start3A_59 : memref<96xi32, #tpu.memory_space<hbm>>) target(%arg6 : memref<96xi32, #tpu.memory_space<vmem>>) target_semaphore(%run_scoped3A : memref<!tpu.dma_semaphore, #tpu.memory_space<semaphore_mem>>)
      %dma_wait3A_60 = tpu.memref_slice %arg3[%add3A_6] : memref<18432xi32, #tpu.memory_space<hbm>> -> memref<96xi32, #tpu.memory_space<hbm>>
      %dma_wait3A_61 = tpu.memref_slice %arg3[%add3A_6] : memref<18432xi32, #tpu.memory_space<hbm>> -> memref<96xi32, #tpu.memory_space<hbm>>
      tpu.wait_dma2 semaphore(%run_scoped3A : memref<!tpu.dma_semaphore, #tpu.memory_space<semaphore_mem>>) src(%dma_wait3A_61 : memref<96xi32, #tpu.memory_space<hbm>>) dst(%arg6 : memref<96xi32, #tpu.memory_space<vmem>>)
      tpu.yield
    }) : () -> ()
    %dma_start3A_7 = arith.constant 0 : i32
    %dma_start3A_8 = arith.constant 0 : i32
    %dma_start3A_9 = tpu.memref_slice %arg2[%dma_start3A_7, %dma_start3A_8] : memref<8192x256xf32, #tpu.memory_space<hbm>> -> memref<8192x256xf32, #tpu.memory_space<hbm>>
    tpu.enqueue_indirect_dma source(%dma_start3A_9 : memref<8192x256xf32, #tpu.memory_space<hbm>>) target(%arg8 : memref<96x256xf32, #tpu.memory_space<vmem>>) offsets(%arg6 : memref<96xi32, #tpu.memory_space<vmem>>) semaphore(%arg10 : memref<!tpu.dma_semaphore, #tpu.memory_space<semaphore_mem>>)
    %dma_wait3A = arith.constant 0 : i32
    %dma_wait3A_10 = arith.constant 0 : i32
    %dma_wait3A_11 = tpu.memref_slice %arg2[%dma_wait3A, %dma_wait3A_10] : memref<8192x256xf32, #tpu.memory_space<hbm>> -> memref<8192x256xf32, #tpu.memory_space<hbm>>
    tpu.wait_indirect_dma semaphore(%arg9 : memref<!tpu.dma_semaphore, #tpu.memory_space<semaphore_mem>>) src(%dma_wait3A_11 : memref<8192x256xf32, #tpu.memory_space<hbm>>) dst(%arg7 : memref<96x256xf32, #tpu.memory_space<vmem>>)
    %sub3A = arith.constant 96 : i32
    %sub3A_12 = arith.subi %add3A_6, %sub3A : i32
    "tpu.region"() ({
      %run_scoped3A = tpu.sem_alloc : memref<!tpu.dma_semaphore, #tpu.memory_space<semaphore_mem>>
      %dma_start3A_58 = arith.constant 0 : i32
      %dma_start3A_59 = tpu.memref_slice %arg4[%sub3A_12, %dma_start3A_58] : memref<18432x256xf32, #tpu.memory_space<hbm>> -> memref<96x256xf32, #tpu.memory_space<hbm>>
      %dma_start3A_60 = arith.constant 0 : i32
      %dma_start3A_61 = tpu.memref_slice %arg4[%sub3A_12, %dma_start3A_60] : memref<18432x256xf32, #tpu.memory_space<hbm>> -> memref<96x256xf32, #tpu.memory_space<hbm>>
      tpu.enqueue_dma source(%arg7 : memref<96x256xf32, #tpu.memory_space<vmem>>) target(%dma_start3A_61 : memref<96x256xf32, #tpu.memory_space<hbm>>) target_semaphore(%run_scoped3A : memref<!tpu.dma_semaphore, #tpu.memory_space<semaphore_mem>>)
      %dma_wait3A_62 = arith.constant 0 : i32
      %dma_wait3A_63 = tpu.memref_slice %arg4[%sub3A_12, %dma_wait3A_62] : memref<18432x256xf32, #tpu.memory_space<hbm>> -> memref<96x256xf32, #tpu.memory_space<hbm>>
      %dma_wait3A_64 = arith.constant 0 : i32
      %dma_wait3A_65 = tpu.memref_slice %arg4[%sub3A_12, %dma_wait3A_64] : memref<18432x256xf32, #tpu.memory_space<hbm>> -> memref<96x256xf32, #tpu.memory_space<hbm>>
      tpu.wait_dma2 semaphore(%run_scoped3A : memref<!tpu.dma_semaphore, #tpu.memory_space<semaphore_mem>>) src(%arg7 : memref<96x256xf32, #tpu.memory_space<vmem>>) dst(%dma_wait3A_65 : memref<96x256xf32, #tpu.memory_space<hbm>>)
      tpu.yield
    }) : () -> ()
    %add3A_13 = arith.constant 192 : i32
    %add3A_14 = arith.addi %mul3A_2, %add3A_13 : i32
    "tpu.region"() ({
      %run_scoped3A = tpu.sem_alloc : memref<!tpu.dma_semaphore, #tpu.memory_space<semaphore_mem>>
      %dma_start3A_58 = tpu.memref_slice %arg3[%add3A_14] : memref<18432xi32, #tpu.memory_space<hbm>> -> memref<96xi32, #tpu.memory_space<hbm>>
      %dma_start3A_59 = tpu.memref_slice %arg3[%add3A_14] : memref<18432xi32, #tpu.memory_space<hbm>> -> memref<96xi32, #tpu.memory_space<hbm>>
      tpu.enqueue_dma source(%dma_start3A_59 : memref<96xi32, #tpu.memory_space<hbm>>) target(%arg5 : memref<96xi32, #tpu.memory_space<vmem>>) target_semaphore(%run_scoped3A : memref<!tpu.dma_semaphore, #tpu.memory_space<semaphore_mem>>)
      %dma_wait3A_60 = tpu.memref_slice %arg3[%add3A_14] : memref<18432xi32, #tpu.memory_space<hbm>> -> memref<96xi32, #tpu.memory_space<hbm>>
      %dma_wait3A_61 = tpu.memref_slice %arg3[%add3A_14] : memref<18432xi32, #tpu.memory_space<hbm>> -> memref<96xi32, #tpu.memory_space<hbm>>
      tpu.wait_dma2 semaphore(%run_scoped3A : memref<!tpu.dma_semaphore, #tpu.memory_space<semaphore_mem>>) src(%dma_wait3A_61 : memref<96xi32, #tpu.memory_space<hbm>>) dst(%arg5 : memref<96xi32, #tpu.memory_space<vmem>>)
      tpu.yield
    }) : () -> ()
    %dma_start3A_15 = arith.constant 0 : i32
    %dma_start3A_16 = arith.constant 0 : i32
    %dma_start3A_17 = tpu.memref_slice %arg2[%dma_start3A_15, %dma_start3A_16] : memref<8192x256xf32, #tpu.memory_space<hbm>> -> memref<8192x256xf32, #tpu.memory_space<hbm>>
    tpu.enqueue_indirect_dma source(%dma_start3A_17 : memref<8192x256xf32, #tpu.memory_space<hbm>>) target(%arg7 : memref<96x256xf32, #tpu.memory_space<vmem>>) offsets(%arg5 : memref<96xi32, #tpu.memory_space<vmem>>) semaphore(%arg9 : memref<!tpu.dma_semaphore, #tpu.memory_space<semaphore_mem>>)
    %dma_wait3A_18 = arith.constant 0 : i32
    %dma_wait3A_19 = arith.constant 0 : i32
    %dma_wait3A_20 = tpu.memref_slice %arg2[%dma_wait3A_18, %dma_wait3A_19] : memref<8192x256xf32, #tpu.memory_space<hbm>> -> memref<8192x256xf32, #tpu.memory_space<hbm>>
    tpu.wait_indirect_dma semaphore(%arg10 : memref<!tpu.dma_semaphore, #tpu.memory_space<semaphore_mem>>) src(%dma_wait3A_20 : memref<8192x256xf32, #tpu.memory_space<hbm>>) dst(%arg8 : memref<96x256xf32, #tpu.memory_space<vmem>>)
    %sub3A_21 = arith.constant 96 : i32
    %sub3A_22 = arith.subi %add3A_14, %sub3A_21 : i32
    "tpu.region"() ({
      %run_scoped3A = tpu.sem_alloc : memref<!tpu.dma_semaphore, #tpu.memory_space<semaphore_mem>>
      %dma_start3A_58 = arith.constant 0 : i32
      %dma_start3A_59 = tpu.memref_slice %arg4[%sub3A_22, %dma_start3A_58] : memref<18432x256xf32, #tpu.memory_space<hbm>> -> memref<96x256xf32, #tpu.memory_space<hbm>>
      %dma_start3A_60 = arith.constant 0 : i32
      %dma_start3A_61 = tpu.memref_slice %arg4[%sub3A_22, %dma_start3A_60] : memref<18432x256xf32, #tpu.memory_space<hbm>> -> memref<96x256xf32, #tpu.memory_space<hbm>>
      tpu.enqueue_dma source(%arg8 : memref<96x256xf32, #tpu.memory_space<vmem>>) target(%dma_start3A_61 : memref<96x256xf32, #tpu.memory_space<hbm>>) target_semaphore(%run_scoped3A : memref<!tpu.dma_semaphore, #tpu.memory_space<semaphore_mem>>)
      %dma_wait3A_62 = arith.constant 0 : i32
      %dma_wait3A_63 = tpu.memref_slice %arg4[%sub3A_22, %dma_wait3A_62] : memref<18432x256xf32, #tpu.memory_space<hbm>> -> memref<96x256xf32, #tpu.memory_space<hbm>>
      %dma_wait3A_64 = arith.constant 0 : i32
      %dma_wait3A_65 = tpu.memref_slice %arg4[%sub3A_22, %dma_wait3A_64] : memref<18432x256xf32, #tpu.memory_space<hbm>> -> memref<96x256xf32, #tpu.memory_space<hbm>>
      tpu.wait_dma2 semaphore(%run_scoped3A : memref<!tpu.dma_semaphore, #tpu.memory_space<semaphore_mem>>) src(%arg8 : memref<96x256xf32, #tpu.memory_space<vmem>>) dst(%dma_wait3A_65 : memref<96x256xf32, #tpu.memory_space<hbm>>)
      tpu.yield
    }) : () -> ()
    %add3A_23 = arith.constant 288 : i32
    %add3A_24 = arith.addi %mul3A_2, %add3A_23 : i32
    "tpu.region"() ({
      %run_scoped3A = tpu.sem_alloc : memref<!tpu.dma_semaphore, #tpu.memory_space<semaphore_mem>>
      %dma_start3A_58 = tpu.memref_slice %arg3[%add3A_24] : memref<18432xi32, #tpu.memory_space<hbm>> -> memref<96xi32, #tpu.memory_space<hbm>>
      %dma_start3A_59 = tpu.memref_slice %arg3[%add3A_24] : memref<18432xi32, #tpu.memory_space<hbm>> -> memref<96xi32, #tpu.memory_space<hbm>>
      tpu.enqueue_dma source(%dma_start3A_59 : memref<96xi32, #tpu.memory_space<hbm>>) target(%arg6 : memref<96xi32, #tpu.memory_space<vmem>>) target_semaphore(%run_scoped3A : memref<!tpu.dma_semaphore, #tpu.memory_space<semaphore_mem>>)
      %dma_wait3A_60 = tpu.memref_slice %arg3[%add3A_24] : memref<18432xi32, #tpu.memory_space<hbm>> -> memref<96xi32, #tpu.memory_space<hbm>>
      %dma_wait3A_61 = tpu.memref_slice %arg3[%add3A_24] : memref<18432xi32, #tpu.memory_space<hbm>> -> memref<96xi32, #tpu.memory_space<hbm>>
      tpu.wait_dma2 semaphore(%run_scoped3A : memref<!tpu.dma_semaphore, #tpu.memory_space<semaphore_mem>>) src(%dma_wait3A_61 : memref<96xi32, #tpu.memory_space<hbm>>) dst(%arg6 : memref<96xi32, #tpu.memory_space<vmem>>)
      tpu.yield
    }) : () -> ()
    %dma_start3A_25 = arith.constant 0 : i32
    %dma_start3A_26 = arith.constant 0 : i32
    %dma_start3A_27 = tpu.memref_slice %arg2[%dma_start3A_25, %dma_start3A_26] : memref<8192x256xf32, #tpu.memory_space<hbm>> -> memref<8192x256xf32, #tpu.memory_space<hbm>>
    tpu.enqueue_indirect_dma source(%dma_start3A_27 : memref<8192x256xf32, #tpu.memory_space<hbm>>) target(%arg8 : memref<96x256xf32, #tpu.memory_space<vmem>>) offsets(%arg6 : memref<96xi32, #tpu.memory_space<vmem>>) semaphore(%arg10 : memref<!tpu.dma_semaphore, #tpu.memory_space<semaphore_mem>>)
    %dma_wait3A_28 = arith.constant 0 : i32
    %dma_wait3A_29 = arith.constant 0 : i32
    %dma_wait3A_30 = tpu.memref_slice %arg2[%dma_wait3A_28, %dma_wait3A_29] : memref<8192x256xf32, #tpu.memory_space<hbm>> -> memref<8192x256xf32, #tpu.memory_space<hbm>>
    tpu.wait_indirect_dma semaphore(%arg9 : memref<!tpu.dma_semaphore, #tpu.memory_space<semaphore_mem>>) src(%dma_wait3A_30 : memref<8192x256xf32, #tpu.memory_space<hbm>>) dst(%arg7 : memref<96x256xf32, #tpu.memory_space<vmem>>)
    %sub3A_31 = arith.constant 96 : i32
    %sub3A_32 = arith.subi %add3A_24, %sub3A_31 : i32
    "tpu.region"() ({
      %run_scoped3A = tpu.sem_alloc : memref<!tpu.dma_semaphore, #tpu.memory_space<semaphore_mem>>
      %dma_start3A_58 = arith.constant 0 : i32
      %dma_start3A_59 = tpu.memref_slice %arg4[%sub3A_32, %dma_start3A_58] : memref<18432x256xf32, #tpu.memory_space<hbm>> -> memref<96x256xf32, #tpu.memory_space<hbm>>
      %dma_start3A_60 = arith.constant 0 : i32
      %dma_start3A_61 = tpu.memref_slice %arg4[%sub3A_32, %dma_start3A_60] : memref<18432x256xf32, #tpu.memory_space<hbm>> -> memref<96x256xf32, #tpu.memory_space<hbm>>
      tpu.enqueue_dma source(%arg7 : memref<96x256xf32, #tpu.memory_space<vmem>>) target(%dma_start3A_61 : memref<96x256xf32, #tpu.memory_space<hbm>>) target_semaphore(%run_scoped3A : memref<!tpu.dma_semaphore, #tpu.memory_space<semaphore_mem>>)
      %dma_wait3A_62 = arith.constant 0 : i32
      %dma_wait3A_63 = tpu.memref_slice %arg4[%sub3A_32, %dma_wait3A_62] : memref<18432x256xf32, #tpu.memory_space<hbm>> -> memref<96x256xf32, #tpu.memory_space<hbm>>
      %dma_wait3A_64 = arith.constant 0 : i32
      %dma_wait3A_65 = tpu.memref_slice %arg4[%sub3A_32, %dma_wait3A_64] : memref<18432x256xf32, #tpu.memory_space<hbm>> -> memref<96x256xf32, #tpu.memory_space<hbm>>
      tpu.wait_dma2 semaphore(%run_scoped3A : memref<!tpu.dma_semaphore, #tpu.memory_space<semaphore_mem>>) src(%arg7 : memref<96x256xf32, #tpu.memory_space<vmem>>) dst(%dma_wait3A_65 : memref<96x256xf32, #tpu.memory_space<hbm>>)
      tpu.yield
    }) : () -> ()
    %add3A_33 = arith.constant 384 : i32
    %add3A_34 = arith.addi %mul3A_2, %add3A_33 : i32
    "tpu.region"() ({
      %run_scoped3A = tpu.sem_alloc : memref<!tpu.dma_semaphore, #tpu.memory_space<semaphore_mem>>
      %dma_start3A_58 = tpu.memref_slice %arg3[%add3A_34] : memref<18432xi32, #tpu.memory_space<hbm>> -> memref<96xi32, #tpu.memory_space<hbm>>
      %dma_start3A_59 = tpu.memref_slice %arg3[%add3A_34] : memref<18432xi32, #tpu.memory_space<hbm>> -> memref<96xi32, #tpu.memory_space<hbm>>
      tpu.enqueue_dma source(%dma_start3A_59 : memref<96xi32, #tpu.memory_space<hbm>>) target(%arg5 : memref<96xi32, #tpu.memory_space<vmem>>) target_semaphore(%run_scoped3A : memref<!tpu.dma_semaphore, #tpu.memory_space<semaphore_mem>>)
      %dma_wait3A_60 = tpu.memref_slice %arg3[%add3A_34] : memref<18432xi32, #tpu.memory_space<hbm>> -> memref<96xi32, #tpu.memory_space<hbm>>
      %dma_wait3A_61 = tpu.memref_slice %arg3[%add3A_34] : memref<18432xi32, #tpu.memory_space<hbm>> -> memref<96xi32, #tpu.memory_space<hbm>>
      tpu.wait_dma2 semaphore(%run_scoped3A : memref<!tpu.dma_semaphore, #tpu.memory_space<semaphore_mem>>) src(%dma_wait3A_61 : memref<96xi32, #tpu.memory_space<hbm>>) dst(%arg5 : memref<96xi32, #tpu.memory_space<vmem>>)
      tpu.yield
    }) : () -> ()
    %dma_start3A_35 = arith.constant 0 : i32
    %dma_start3A_36 = arith.constant 0 : i32
    %dma_start3A_37 = tpu.memref_slice %arg2[%dma_start3A_35, %dma_start3A_36] : memref<8192x256xf32, #tpu.memory_space<hbm>> -> memref<8192x256xf32, #tpu.memory_space<hbm>>
    tpu.enqueue_indirect_dma source(%dma_start3A_37 : memref<8192x256xf32, #tpu.memory_space<hbm>>) target(%arg7 : memref<96x256xf32, #tpu.memory_space<vmem>>) offsets(%arg5 : memref<96xi32, #tpu.memory_space<vmem>>) semaphore(%arg9 : memref<!tpu.dma_semaphore, #tpu.memory_space<semaphore_mem>>)
    %dma_wait3A_38 = arith.constant 0 : i32
    %dma_wait3A_39 = arith.constant 0 : i32
    %dma_wait3A_40 = tpu.memref_slice %arg2[%dma_wait3A_38, %dma_wait3A_39] : memref<8192x256xf32, #tpu.memory_space<hbm>> -> memref<8192x256xf32, #tpu.memory_space<hbm>>
    tpu.wait_indirect_dma semaphore(%arg10 : memref<!tpu.dma_semaphore, #tpu.memory_space<semaphore_mem>>) src(%dma_wait3A_40 : memref<8192x256xf32, #tpu.memory_space<hbm>>) dst(%arg8 : memref<96x256xf32, #tpu.memory_space<vmem>>)
    %sub3A_41 = arith.constant 96 : i32
    %sub3A_42 = arith.subi %add3A_34, %sub3A_41 : i32
    "tpu.region"() ({
      %run_scoped3A = tpu.sem_alloc : memref<!tpu.dma_semaphore, #tpu.memory_space<semaphore_mem>>
      %dma_start3A_58 = arith.constant 0 : i32
      %dma_start3A_59 = tpu.memref_slice %arg4[%sub3A_42, %dma_start3A_58] : memref<18432x256xf32, #tpu.memory_space<hbm>> -> memref<96x256xf32, #tpu.memory_space<hbm>>
      %dma_start3A_60 = arith.constant 0 : i32
      %dma_start3A_61 = tpu.memref_slice %arg4[%sub3A_42, %dma_start3A_60] : memref<18432x256xf32, #tpu.memory_space<hbm>> -> memref<96x256xf32, #tpu.memory_space<hbm>>
      tpu.enqueue_dma source(%arg8 : memref<96x256xf32, #tpu.memory_space<vmem>>) target(%dma_start3A_61 : memref<96x256xf32, #tpu.memory_space<hbm>>) target_semaphore(%run_scoped3A : memref<!tpu.dma_semaphore, #tpu.memory_space<semaphore_mem>>)
      %dma_wait3A_62 = arith.constant 0 : i32
      %dma_wait3A_63 = tpu.memref_slice %arg4[%sub3A_42, %dma_wait3A_62] : memref<18432x256xf32, #tpu.memory_space<hbm>> -> memref<96x256xf32, #tpu.memory_space<hbm>>
      %dma_wait3A_64 = arith.constant 0 : i32
      %dma_wait3A_65 = tpu.memref_slice %arg4[%sub3A_42, %dma_wait3A_64] : memref<18432x256xf32, #tpu.memory_space<hbm>> -> memref<96x256xf32, #tpu.memory_space<hbm>>
      tpu.wait_dma2 semaphore(%run_scoped3A : memref<!tpu.dma_semaphore, #tpu.memory_space<semaphore_mem>>) src(%arg8 : memref<96x256xf32, #tpu.memory_space<vmem>>) dst(%dma_wait3A_65 : memref<96x256xf32, #tpu.memory_space<hbm>>)
      tpu.yield
    }) : () -> ()
    %add3A_43 = arith.constant 480 : i32
    %add3A_44 = arith.addi %mul3A_2, %add3A_43 : i32
    "tpu.region"() ({
      %run_scoped3A = tpu.sem_alloc : memref<!tpu.dma_semaphore, #tpu.memory_space<semaphore_mem>>
      %dma_start3A_58 = tpu.memref_slice %arg3[%add3A_44] : memref<18432xi32, #tpu.memory_space<hbm>> -> memref<96xi32, #tpu.memory_space<hbm>>
      %dma_start3A_59 = tpu.memref_slice %arg3[%add3A_44] : memref<18432xi32, #tpu.memory_space<hbm>> -> memref<96xi32, #tpu.memory_space<hbm>>
      tpu.enqueue_dma source(%dma_start3A_59 : memref<96xi32, #tpu.memory_space<hbm>>) target(%arg6 : memref<96xi32, #tpu.memory_space<vmem>>) target_semaphore(%run_scoped3A : memref<!tpu.dma_semaphore, #tpu.memory_space<semaphore_mem>>)
      %dma_wait3A_60 = tpu.memref_slice %arg3[%add3A_44] : memref<18432xi32, #tpu.memory_space<hbm>> -> memref<96xi32, #tpu.memory_space<hbm>>
      %dma_wait3A_61 = tpu.memref_slice %arg3[%add3A_44] : memref<18432xi32, #tpu.memory_space<hbm>> -> memref<96xi32, #tpu.memory_space<hbm>>
      tpu.wait_dma2 semaphore(%run_scoped3A : memref<!tpu.dma_semaphore, #tpu.memory_space<semaphore_mem>>) src(%dma_wait3A_61 : memref<96xi32, #tpu.memory_space<hbm>>) dst(%arg6 : memref<96xi32, #tpu.memory_space<vmem>>)
      tpu.yield
    }) : () -> ()
    %dma_start3A_45 = arith.constant 0 : i32
    %dma_start3A_46 = arith.constant 0 : i32
    %dma_start3A_47 = tpu.memref_slice %arg2[%dma_start3A_45, %dma_start3A_46] : memref<8192x256xf32, #tpu.memory_space<hbm>> -> memref<8192x256xf32, #tpu.memory_space<hbm>>
    tpu.enqueue_indirect_dma source(%dma_start3A_47 : memref<8192x256xf32, #tpu.memory_space<hbm>>) target(%arg8 : memref<96x256xf32, #tpu.memory_space<vmem>>) offsets(%arg6 : memref<96xi32, #tpu.memory_space<vmem>>) semaphore(%arg10 : memref<!tpu.dma_semaphore, #tpu.memory_space<semaphore_mem>>)
    %dma_wait3A_48 = arith.constant 0 : i32
    %dma_wait3A_49 = arith.constant 0 : i32
    %dma_wait3A_50 = tpu.memref_slice %arg2[%dma_wait3A_48, %dma_wait3A_49] : memref<8192x256xf32, #tpu.memory_space<hbm>> -> memref<8192x256xf32, #tpu.memory_space<hbm>>
    tpu.wait_indirect_dma semaphore(%arg9 : memref<!tpu.dma_semaphore, #tpu.memory_space<semaphore_mem>>) src(%dma_wait3A_50 : memref<8192x256xf32, #tpu.memory_space<hbm>>) dst(%arg7 : memref<96x256xf32, #tpu.memory_space<vmem>>)
    %sub3A_51 = arith.constant 96 : i32
    %sub3A_52 = arith.subi %add3A_44, %sub3A_51 : i32
    "tpu.region"() ({
      %run_scoped3A = tpu.sem_alloc : memref<!tpu.dma_semaphore, #tpu.memory_space<semaphore_mem>>
      %dma_start3A_58 = arith.constant 0 : i32
      %dma_start3A_59 = tpu.memref_slice %arg4[%sub3A_52, %dma_start3A_58] : memref<18432x256xf32, #tpu.memory_space<hbm>> -> memref<96x256xf32, #tpu.memory_space<hbm>>
      %dma_start3A_60 = arith.constant 0 : i32
      %dma_start3A_61 = tpu.memref_slice %arg4[%sub3A_52, %dma_start3A_60] : memref<18432x256xf32, #tpu.memory_space<hbm>> -> memref<96x256xf32, #tpu.memory_space<hbm>>
      tpu.enqueue_dma source(%arg7 : memref<96x256xf32, #tpu.memory_space<vmem>>) target(%dma_start3A_61 : memref<96x256xf32, #tpu.memory_space<hbm>>) target_semaphore(%run_scoped3A : memref<!tpu.dma_semaphore, #tpu.memory_space<semaphore_mem>>)
      %dma_wait3A_62 = arith.constant 0 : i32
      %dma_wait3A_63 = tpu.memref_slice %arg4[%sub3A_52, %dma_wait3A_62] : memref<18432x256xf32, #tpu.memory_space<hbm>> -> memref<96x256xf32, #tpu.memory_space<hbm>>
      %dma_wait3A_64 = arith.constant 0 : i32
      %dma_wait3A_65 = tpu.memref_slice %arg4[%sub3A_52, %dma_wait3A_64] : memref<18432x256xf32, #tpu.memory_space<hbm>> -> memref<96x256xf32, #tpu.memory_space<hbm>>
      tpu.wait_dma2 semaphore(%run_scoped3A : memref<!tpu.dma_semaphore, #tpu.memory_space<semaphore_mem>>) src(%arg7 : memref<96x256xf32, #tpu.memory_space<vmem>>) dst(%dma_wait3A_65 : memref<96x256xf32, #tpu.memory_space<hbm>>)
      tpu.yield
    }) : () -> ()
    %dma_wait3A_53 = arith.constant 0 : i32
    %dma_wait3A_54 = arith.constant 0 : i32
    %dma_wait3A_55 = tpu.memref_slice %arg2[%dma_wait3A_53, %dma_wait3A_54] : memref<8192x256xf32, #tpu.memory_space<hbm>> -> memref<8192x256xf32, #tpu.memory_space<hbm>>
    tpu.wait_indirect_dma semaphore(%arg10 : memref<!tpu.dma_semaphore, #tpu.memory_space<semaphore_mem>>) src(%dma_wait3A_55 : memref<8192x256xf32, #tpu.memory_space<hbm>>) dst(%arg8 : memref<96x256xf32, #tpu.memory_space<vmem>>)
    %add3A_56 = arith.constant 480 : i32
    %add3A_57 = arith.addi %mul3A_2, %add3A_56 : i32
    "tpu.region"() ({
      %run_scoped3A = tpu.sem_alloc : memref<!tpu.dma_semaphore, #tpu.memory_space<semaphore_mem>>
      %dma_start3A_58 = arith.constant 0 : i32
      %dma_start3A_59 = tpu.memref_slice %arg4[%add3A_57, %dma_start3A_58] : memref<18432x256xf32, #tpu.memory_space<hbm>> -> memref<96x256xf32, #tpu.memory_space<hbm>>
      %dma_start3A_60 = arith.constant 0 : i32
      %dma_start3A_61 = tpu.memref_slice %arg4[%add3A_57, %dma_start3A_60] : memref<18432x256xf32, #tpu.memory_space<hbm>> -> memref<96x256xf32, #tpu.memory_space<hbm>>
      tpu.enqueue_dma source(%arg8 : memref<96x256xf32, #tpu.memory_space<vmem>>) target(%dma_start3A_61 : memref<96x256xf32, #tpu.memory_space<hbm>>) target_semaphore(%run_scoped3A : memref<!tpu.dma_semaphore, #tpu.memory_space<semaphore_mem>>)
      %dma_wait3A_62 = arith.constant 0 : i32
      %dma_wait3A_63 = tpu.memref_slice %arg4[%add3A_57, %dma_wait3A_62] : memref<18432x256xf32, #tpu.memory_space<hbm>> -> memref<96x256xf32, #tpu.memory_space<hbm>>
      %dma_wait3A_64 = arith.constant 0 : i32
      %dma_wait3A_65 = tpu.memref_slice %arg4[%add3A_57, %dma_wait3A_64] : memref<18432x256xf32, #tpu.memory_space<hbm>> -> memref<96x256xf32, #tpu.memory_space<hbm>>
      tpu.wait_dma2 semaphore(%run_scoped3A : memref<!tpu.dma_semaphore, #tpu.memory_space<semaphore_mem>>) src(%arg8 : memref<96x256xf32, #tpu.memory_space<vmem>>) dst(%dma_wait3A_65 : memref<96x256xf32, #tpu.memory_space<hbm>>)
      tpu.yield
    }) : () -> ()
    return
  }
}

module attributes {stable_mosaic.version = 14 : i64} {
  func.func @_argmin_body(%arg0: i32, %arg1: memref<1x256x576xf32, #tpu.memory_space<vmem>>, %arg2: memref<8192x256xf32, #tpu.memory_space<vmem>>, %arg3: memref<1x1x576xi32, #tpu.memory_space<vmem>>, %arg4: memref<1x1xf32, #tpu.memory_space<smem>>, %arg5: memref<8192x256xf32, #tpu.memory_space<vmem>>, %arg6: memref<1x8192xf32, #tpu.memory_space<vmem>>) attributes {dimension_semantics = [#tpu.dimension_semantics<arbitrary>], iteration_bounds = array<i64: 32>, scalar_prefetch = 0 : i64, scratch_operands = 2 : i64, tpu.core_type = #tpu.core_type<tc>, window_params = [{transform_indices = @transform_0, window_bounds = array<i64: 1, 256, 576>}, {pipeline_mode = #tpu.pipeline_mode<synchronous>, transform_indices = @transform_1, window_bounds = array<i64: 8192, 256>}, {transform_indices = @transform_2, window_bounds = array<i64: 1, 1, 576>}, {transform_indices = @transform_3, window_bounds = array<i64: 1, 1>}]} {
    %eq3A = arith.constant 0 : i32
    %eq3A_0 = arith.cmpi eq, %arg0, %eq3A : i32
    %convert_element_type3A = arith.extui %eq3A_0 : i1 to i32
    %cond3A = arith.constant 0 : i32
    %cond3A_1 = arith.cmpi ne, %convert_element_type3A, %cond3A : i32
    scf.if %cond3A_1 {
      %get3A_329 = arith.constant 0 : index
      %get3A_330 = arith.constant 0 : index
      %get3A_331 = vector.load %arg2[%get3A_329, %get3A_330] : memref<8192x256xf32, #tpu.memory_space<vmem>>, vector<8192x256xf32>
      %add3A_332 = arith.addf %get3A_331, %get3A_331 : vector<8192x256xf32>
      %swap3A_333 = arith.constant 0 : index
      %swap3A_334 = arith.constant 0 : index
      %swap3A_335 = vector.load %arg5[%swap3A_333, %swap3A_334] : memref<8192x256xf32, #tpu.memory_space<vmem>>, vector<8192x256xf32>
      tpu.vector_store %arg5[%swap3A_333, %swap3A_334], %add3A_332 {strides = array<i32>} : memref<8192x256xf32, #tpu.memory_space<vmem>>, vector<8192x256xf32>,
      %mul3A_336 = arith.mulf %get3A_331, %get3A_331 : vector<8192x256xf32>
      %reduce_sum3A_337 = arith.constant dense<0.000000e+00> : vector<8192xf32>
      %reduce_sum3A_338 = vector.multi_reduction <add>, %mul3A_336, %reduce_sum3A_337 [1] : vector<8192x256xf32> to vector<8192xf32>
      %broadcast_in_dim3A_339 = vector.shape_cast %reduce_sum3A_338 : vector<8192xf32> to vector<1x8192xf32>
      %swap3A_340 = arith.constant 0 : index
      %swap3A_341 = arith.constant 0 : index
      %swap3A_342 = vector.load %arg6[%swap3A_340, %swap3A_341] : memref<1x8192xf32, #tpu.memory_space<vmem>>, vector<1x8192xf32>
      tpu.vector_store %arg6[%swap3A_340, %swap3A_341], %broadcast_in_dim3A_339 {strides = array<i32>} : memref<1x8192xf32, #tpu.memory_space<vmem>>, vector<1x8192xf32>,
    } else {
    }
    %get3A = arith.constant 0 : index
    %get3A_2 = arith.constant 0 : index
    %get3A_3 = arith.constant 0 : index
    %get3A_4 = vector.load %arg1[%get3A, %get3A_2, %get3A_3] : memref<1x256x576xf32, #tpu.memory_space<vmem>>, vector<1x256x576xf32>
    %get3A_5 = vector.shape_cast %get3A_4 : vector<1x256x576xf32> to vector<256x576xf32>
    %mul3A = arith.mulf %get3A_5, %get3A_5 : vector<256x576xf32>
    %reduce_sum3A = arith.constant dense<0.000000e+00> : vector<576xf32>
    %reduce_sum3A_6 = vector.multi_reduction <add>, %mul3A, %reduce_sum3A [0] : vector<256x576xf32> to vector<576xf32>
    %broadcast_in_dim3A = vector.shape_cast %reduce_sum3A_6 : vector<576xf32> to vector<576x1xf32>
    %broadcast_in_dim3A_7 = vector.shape_cast %broadcast_in_dim3A : vector<576x1xf32> to vector<576x1xf32>
    %broadcast_in_dim3A_8 = vector.broadcast %broadcast_in_dim3A_7 : vector<576x1xf32> to vector<576x512xf32>
    %get3A_9 = arith.constant 0 : index
    %get3A_10 = arith.constant 0 : index
    %get3A_11 = vector.load %arg5[%get3A_9, %get3A_10] : memref<8192x256xf32, #tpu.memory_space<vmem>>, vector<512x256xf32>
    %get3A_12 = arith.constant 0 : index
    %get3A_13 = arith.constant 0 : index
    %get3A_14 = vector.load %arg6[%get3A_12, %get3A_13] : memref<1x8192xf32, #tpu.memory_space<vmem>>, vector<1x512xf32>
    %get3A_15 = vector.shape_cast %get3A_14 : vector<1x512xf32> to vector<512xf32>
    %dot_general3A = arith.constant dense<0.000000e+00> : vector<576x512xf32>
    %dot_general3A_16 = tpu.matmul %get3A_5, %get3A_11, %dot_general3A {dimension_numbers = #tpu.dot_dimension_numbers<[0], [1], [1], [0], [0, 1, 1, 0], [], []>, transpose_lhs_hint = false} : vector<256x576xf32>, vector<512x256xf32>, vector<576x512xf32> -> vector<576x512xf32>
    %broadcast_in_dim3A_17 = vector.shape_cast %get3A_15 : vector<512xf32> to vector<1x512xf32>
    %add3A = vector.broadcast %broadcast_in_dim3A_17 : vector<1x512xf32> to vector<576x512xf32>
    %add3A_18 = arith.addf %broadcast_in_dim3A_8, %add3A : vector<576x512xf32>
    %sub3A = arith.subf %add3A_18, %dot_general3A_16 : vector<576x512xf32>
    %broadcast_in_dim3A_19 = arith.constant 0 : i32
    %broadcast_in_dim3A_20 = vector.broadcast %broadcast_in_dim3A_19 : i32 to vector<576x512xi32>
    %get3A_21 = arith.constant 512 : index
    %get3A_22 = arith.constant 0 : index
    %get3A_23 = vector.load %arg5[%get3A_21, %get3A_22] : memref<8192x256xf32, #tpu.memory_space<vmem>>, vector<512x256xf32>
    %get3A_24 = arith.constant 0 : index
    %get3A_25 = arith.constant 512 : index
    %get3A_26 = vector.load %arg6[%get3A_24, %get3A_25] : memref<1x8192xf32, #tpu.memory_space<vmem>>, vector<1x512xf32>
    %get3A_27 = vector.shape_cast %get3A_26 : vector<1x512xf32> to vector<512xf32>
    %dot_general3A_28 = arith.constant dense<0.000000e+00> : vector<576x512xf32>
    %dot_general3A_29 = tpu.matmul %get3A_5, %get3A_23, %dot_general3A_28 {dimension_numbers = #tpu.dot_dimension_numbers<[0], [1], [1], [0], [0, 1, 1, 0], [], []>, transpose_lhs_hint = false} : vector<256x576xf32>, vector<512x256xf32>, vector<576x512xf32> -> vector<576x512xf32>
    %broadcast_in_dim3A_30 = vector.shape_cast %get3A_27 : vector<512xf32> to vector<1x512xf32>
    %add3A_31 = vector.broadcast %broadcast_in_dim3A_30 : vector<1x512xf32> to vector<576x512xf32>
    %add3A_32 = arith.addf %broadcast_in_dim3A_8, %add3A_31 : vector<576x512xf32>
    %sub3A_33 = arith.subf %add3A_32, %dot_general3A_29 : vector<576x512xf32>
    %lt3A = arith.cmpf olt, %sub3A_33, %sub3A : vector<576x512xf32>
    %min3A = arith.minimumf %sub3A_33, %sub3A : vector<576x512xf32>
    %jit3A = arith.constant 1 : i32
    %broadcast_in_dim3A_34 = vector.broadcast %jit3A : i32 to vector<576x512xi32>
    %select_n3A = arith.select %lt3A, %broadcast_in_dim3A_34, %broadcast_in_dim3A_20 : vector<576x512xi1>, vector<576x512xi32>
    %get3A_35 = arith.constant 1024 : index
    %get3A_36 = arith.constant 0 : index
    %get3A_37 = vector.load %arg5[%get3A_35, %get3A_36] : memref<8192x256xf32, #tpu.memory_space<vmem>>, vector<512x256xf32>
    %get3A_38 = arith.constant 0 : index
    %get3A_39 = arith.constant 1024 : index
    %get3A_40 = vector.load %arg6[%get3A_38, %get3A_39] : memref<1x8192xf32, #tpu.memory_space<vmem>>, vector<1x512xf32>
    %get3A_41 = vector.shape_cast %get3A_40 : vector<1x512xf32> to vector<512xf32>
    %dot_general3A_42 = arith.constant dense<0.000000e+00> : vector<576x512xf32>
    %dot_general3A_43 = tpu.matmul %get3A_5, %get3A_37, %dot_general3A_42 {dimension_numbers = #tpu.dot_dimension_numbers<[0], [1], [1], [0], [0, 1, 1, 0], [], []>, transpose_lhs_hint = false} : vector<256x576xf32>, vector<512x256xf32>, vector<576x512xf32> -> vector<576x512xf32>
    %broadcast_in_dim3A_44 = vector.shape_cast %get3A_41 : vector<512xf32> to vector<1x512xf32>
    %add3A_45 = vector.broadcast %broadcast_in_dim3A_44 : vector<1x512xf32> to vector<576x512xf32>
    %add3A_46 = arith.addf %broadcast_in_dim3A_8, %add3A_45 : vector<576x512xf32>
    %sub3A_47 = arith.subf %add3A_46, %dot_general3A_43 : vector<576x512xf32>
    %lt3A_48 = arith.cmpf olt, %sub3A_47, %min3A : vector<576x512xf32>
    %min3A_49 = arith.minimumf %sub3A_47, %min3A : vector<576x512xf32>
    %jit3A_50 = arith.constant 2 : i32
    %broadcast_in_dim3A_51 = vector.broadcast %jit3A_50 : i32 to vector<576x512xi32>
    %select_n3A_52 = arith.select %lt3A_48, %broadcast_in_dim3A_51, %select_n3A : vector<576x512xi1>, vector<576x512xi32>
    %get3A_53 = arith.constant 1536 : index
    %get3A_54 = arith.constant 0 : index
    %get3A_55 = vector.load %arg5[%get3A_53, %get3A_54] : memref<8192x256xf32, #tpu.memory_space<vmem>>, vector<512x256xf32>
    %get3A_56 = arith.constant 0 : index
    %get3A_57 = arith.constant 1536 : index
    %get3A_58 = vector.load %arg6[%get3A_56, %get3A_57] : memref<1x8192xf32, #tpu.memory_space<vmem>>, vector<1x512xf32>
    %get3A_59 = vector.shape_cast %get3A_58 : vector<1x512xf32> to vector<512xf32>
    %dot_general3A_60 = arith.constant dense<0.000000e+00> : vector<576x512xf32>
    %dot_general3A_61 = tpu.matmul %get3A_5, %get3A_55, %dot_general3A_60 {dimension_numbers = #tpu.dot_dimension_numbers<[0], [1], [1], [0], [0, 1, 1, 0], [], []>, transpose_lhs_hint = false} : vector<256x576xf32>, vector<512x256xf32>, vector<576x512xf32> -> vector<576x512xf32>
    %broadcast_in_dim3A_62 = vector.shape_cast %get3A_59 : vector<512xf32> to vector<1x512xf32>
    %add3A_63 = vector.broadcast %broadcast_in_dim3A_62 : vector<1x512xf32> to vector<576x512xf32>
    %add3A_64 = arith.addf %broadcast_in_dim3A_8, %add3A_63 : vector<576x512xf32>
    %sub3A_65 = arith.subf %add3A_64, %dot_general3A_61 : vector<576x512xf32>
    %lt3A_66 = arith.cmpf olt, %sub3A_65, %min3A_49 : vector<576x512xf32>
    %min3A_67 = arith.minimumf %sub3A_65, %min3A_49 : vector<576x512xf32>
    %jit3A_68 = arith.constant 3 : i32
    %broadcast_in_dim3A_69 = vector.broadcast %jit3A_68 : i32 to vector<576x512xi32>
    %select_n3A_70 = arith.select %lt3A_66, %broadcast_in_dim3A_69, %select_n3A_52 : vector<576x512xi1>, vector<576x512xi32>
    %get3A_71 = arith.constant 2048 : index
    %get3A_72 = arith.constant 0 : index
    %get3A_73 = vector.load %arg5[%get3A_71, %get3A_72] : memref<8192x256xf32, #tpu.memory_space<vmem>>, vector<512x256xf32>
    %get3A_74 = arith.constant 0 : index
    %get3A_75 = arith.constant 2048 : index
    %get3A_76 = vector.load %arg6[%get3A_74, %get3A_75] : memref<1x8192xf32, #tpu.memory_space<vmem>>, vector<1x512xf32>
    %get3A_77 = vector.shape_cast %get3A_76 : vector<1x512xf32> to vector<512xf32>
    %dot_general3A_78 = arith.constant dense<0.000000e+00> : vector<576x512xf32>
    %dot_general3A_79 = tpu.matmul %get3A_5, %get3A_73, %dot_general3A_78 {dimension_numbers = #tpu.dot_dimension_numbers<[0], [1], [1], [0], [0, 1, 1, 0], [], []>, transpose_lhs_hint = false} : vector<256x576xf32>, vector<512x256xf32>, vector<576x512xf32> -> vector<576x512xf32>
    %broadcast_in_dim3A_80 = vector.shape_cast %get3A_77 : vector<512xf32> to vector<1x512xf32>
    %add3A_81 = vector.broadcast %broadcast_in_dim3A_80 : vector<1x512xf32> to vector<576x512xf32>
    %add3A_82 = arith.addf %broadcast_in_dim3A_8, %add3A_81 : vector<576x512xf32>
    %sub3A_83 = arith.subf %add3A_82, %dot_general3A_79 : vector<576x512xf32>
    %lt3A_84 = arith.cmpf olt, %sub3A_83, %min3A_67 : vector<576x512xf32>
    %min3A_85 = arith.minimumf %sub3A_83, %min3A_67 : vector<576x512xf32>
    %jit3A_86 = arith.constant 4 : i32
    %broadcast_in_dim3A_87 = vector.broadcast %jit3A_86 : i32 to vector<576x512xi32>
    %select_n3A_88 = arith.select %lt3A_84, %broadcast_in_dim3A_87, %select_n3A_70 : vector<576x512xi1>, vector<576x512xi32>
    %get3A_89 = arith.constant 2560 : index
    %get3A_90 = arith.constant 0 : index
    %get3A_91 = vector.load %arg5[%get3A_89, %get3A_90] : memref<8192x256xf32, #tpu.memory_space<vmem>>, vector<512x256xf32>
    %get3A_92 = arith.constant 0 : index
    %get3A_93 = arith.constant 2560 : index
    %get3A_94 = vector.load %arg6[%get3A_92, %get3A_93] : memref<1x8192xf32, #tpu.memory_space<vmem>>, vector<1x512xf32>
    %get3A_95 = vector.shape_cast %get3A_94 : vector<1x512xf32> to vector<512xf32>
    %dot_general3A_96 = arith.constant dense<0.000000e+00> : vector<576x512xf32>
    %dot_general3A_97 = tpu.matmul %get3A_5, %get3A_91, %dot_general3A_96 {dimension_numbers = #tpu.dot_dimension_numbers<[0], [1], [1], [0], [0, 1, 1, 0], [], []>, transpose_lhs_hint = false} : vector<256x576xf32>, vector<512x256xf32>, vector<576x512xf32> -> vector<576x512xf32>
    %broadcast_in_dim3A_98 = vector.shape_cast %get3A_95 : vector<512xf32> to vector<1x512xf32>
    %add3A_99 = vector.broadcast %broadcast_in_dim3A_98 : vector<1x512xf32> to vector<576x512xf32>
    %add3A_100 = arith.addf %broadcast_in_dim3A_8, %add3A_99 : vector<576x512xf32>
    %sub3A_101 = arith.subf %add3A_100, %dot_general3A_97 : vector<576x512xf32>
    %lt3A_102 = arith.cmpf olt, %sub3A_101, %min3A_85 : vector<576x512xf32>
    %min3A_103 = arith.minimumf %sub3A_101, %min3A_85 : vector<576x512xf32>
    %jit3A_104 = arith.constant 5 : i32
    %broadcast_in_dim3A_105 = vector.broadcast %jit3A_104 : i32 to vector<576x512xi32>
    %select_n3A_106 = arith.select %lt3A_102, %broadcast_in_dim3A_105, %select_n3A_88 : vector<576x512xi1>, vector<576x512xi32>
    %get3A_107 = arith.constant 3072 : index
    %get3A_108 = arith.constant 0 : index
    %get3A_109 = vector.load %arg5[%get3A_107, %get3A_108] : memref<8192x256xf32, #tpu.memory_space<vmem>>, vector<512x256xf32>
    %get3A_110 = arith.constant 0 : index
    %get3A_111 = arith.constant 3072 : index
    %get3A_112 = vector.load %arg6[%get3A_110, %get3A_111] : memref<1x8192xf32, #tpu.memory_space<vmem>>, vector<1x512xf32>
    %get3A_113 = vector.shape_cast %get3A_112 : vector<1x512xf32> to vector<512xf32>
    %dot_general3A_114 = arith.constant dense<0.000000e+00> : vector<576x512xf32>
    %dot_general3A_115 = tpu.matmul %get3A_5, %get3A_109, %dot_general3A_114 {dimension_numbers = #tpu.dot_dimension_numbers<[0], [1], [1], [0], [0, 1, 1, 0], [], []>, transpose_lhs_hint = false} : vector<256x576xf32>, vector<512x256xf32>, vector<576x512xf32> -> vector<576x512xf32>
    %broadcast_in_dim3A_116 = vector.shape_cast %get3A_113 : vector<512xf32> to vector<1x512xf32>
    %add3A_117 = vector.broadcast %broadcast_in_dim3A_116 : vector<1x512xf32> to vector<576x512xf32>
    %add3A_118 = arith.addf %broadcast_in_dim3A_8, %add3A_117 : vector<576x512xf32>
    %sub3A_119 = arith.subf %add3A_118, %dot_general3A_115 : vector<576x512xf32>
    %lt3A_120 = arith.cmpf olt, %sub3A_119, %min3A_103 : vector<576x512xf32>
    %min3A_121 = arith.minimumf %sub3A_119, %min3A_103 : vector<576x512xf32>
    %jit3A_122 = arith.constant 6 : i32
    %broadcast_in_dim3A_123 = vector.broadcast %jit3A_122 : i32 to vector<576x512xi32>
    %select_n3A_124 = arith.select %lt3A_120, %broadcast_in_dim3A_123, %select_n3A_106 : vector<576x512xi1>, vector<576x512xi32>
    %get3A_125 = arith.constant 3584 : index
    %get3A_126 = arith.constant 0 : index
    %get3A_127 = vector.load %arg5[%get3A_125, %get3A_126] : memref<8192x256xf32, #tpu.memory_space<vmem>>, vector<512x256xf32>
    %get3A_128 = arith.constant 0 : index
    %get3A_129 = arith.constant 3584 : index
    %get3A_130 = vector.load %arg6[%get3A_128, %get3A_129] : memref<1x8192xf32, #tpu.memory_space<vmem>>, vector<1x512xf32>
    %get3A_131 = vector.shape_cast %get3A_130 : vector<1x512xf32> to vector<512xf32>
    %dot_general3A_132 = arith.constant dense<0.000000e+00> : vector<576x512xf32>
    %dot_general3A_133 = tpu.matmul %get3A_5, %get3A_127, %dot_general3A_132 {dimension_numbers = #tpu.dot_dimension_numbers<[0], [1], [1], [0], [0, 1, 1, 0], [], []>, transpose_lhs_hint = false} : vector<256x576xf32>, vector<512x256xf32>, vector<576x512xf32> -> vector<576x512xf32>
    %broadcast_in_dim3A_134 = vector.shape_cast %get3A_131 : vector<512xf32> to vector<1x512xf32>
    %add3A_135 = vector.broadcast %broadcast_in_dim3A_134 : vector<1x512xf32> to vector<576x512xf32>
    %add3A_136 = arith.addf %broadcast_in_dim3A_8, %add3A_135 : vector<576x512xf32>
    %sub3A_137 = arith.subf %add3A_136, %dot_general3A_133 : vector<576x512xf32>
    %lt3A_138 = arith.cmpf olt, %sub3A_137, %min3A_121 : vector<576x512xf32>
    %min3A_139 = arith.minimumf %sub3A_137, %min3A_121 : vector<576x512xf32>
    %jit3A_140 = arith.constant 7 : i32
    %broadcast_in_dim3A_141 = vector.broadcast %jit3A_140 : i32 to vector<576x512xi32>
    %select_n3A_142 = arith.select %lt3A_138, %broadcast_in_dim3A_141, %select_n3A_124 : vector<576x512xi1>, vector<576x512xi32>
    %get3A_143 = arith.constant 4096 : index
    %get3A_144 = arith.constant 0 : index
    %get3A_145 = vector.load %arg5[%get3A_143, %get3A_144] : memref<8192x256xf32, #tpu.memory_space<vmem>>, vector<512x256xf32>
    %get3A_146 = arith.constant 0 : index
    %get3A_147 = arith.constant 4096 : index
    %get3A_148 = vector.load %arg6[%get3A_146, %get3A_147] : memref<1x8192xf32, #tpu.memory_space<vmem>>, vector<1x512xf32>
    %get3A_149 = vector.shape_cast %get3A_148 : vector<1x512xf32> to vector<512xf32>
    %dot_general3A_150 = arith.constant dense<0.000000e+00> : vector<576x512xf32>
    %dot_general3A_151 = tpu.matmul %get3A_5, %get3A_145, %dot_general3A_150 {dimension_numbers = #tpu.dot_dimension_numbers<[0], [1], [1], [0], [0, 1, 1, 0], [], []>, transpose_lhs_hint = false} : vector<256x576xf32>, vector<512x256xf32>, vector<576x512xf32> -> vector<576x512xf32>
    %broadcast_in_dim3A_152 = vector.shape_cast %get3A_149 : vector<512xf32> to vector<1x512xf32>
    %add3A_153 = vector.broadcast %broadcast_in_dim3A_152 : vector<1x512xf32> to vector<576x512xf32>
    %add3A_154 = arith.addf %broadcast_in_dim3A_8, %add3A_153 : vector<576x512xf32>
    %sub3A_155 = arith.subf %add3A_154, %dot_general3A_151 : vector<576x512xf32>
    %lt3A_156 = arith.cmpf olt, %sub3A_155, %min3A_139 : vector<576x512xf32>
    %min3A_157 = arith.minimumf %sub3A_155, %min3A_139 : vector<576x512xf32>
    %jit3A_158 = arith.constant 8 : i32
    %broadcast_in_dim3A_159 = vector.broadcast %jit3A_158 : i32 to vector<576x512xi32>
    %select_n3A_160 = arith.select %lt3A_156, %broadcast_in_dim3A_159, %select_n3A_142 : vector<576x512xi1>, vector<576x512xi32>
    %get3A_161 = arith.constant 4608 : index
    %get3A_162 = arith.constant 0 : index
    %get3A_163 = vector.load %arg5[%get3A_161, %get3A_162] : memref<8192x256xf32, #tpu.memory_space<vmem>>, vector<512x256xf32>
    %get3A_164 = arith.constant 0 : index
    %get3A_165 = arith.constant 4608 : index
    %get3A_166 = vector.load %arg6[%get3A_164, %get3A_165] : memref<1x8192xf32, #tpu.memory_space<vmem>>, vector<1x512xf32>
    %get3A_167 = vector.shape_cast %get3A_166 : vector<1x512xf32> to vector<512xf32>
    %dot_general3A_168 = arith.constant dense<0.000000e+00> : vector<576x512xf32>
    %dot_general3A_169 = tpu.matmul %get3A_5, %get3A_163, %dot_general3A_168 {dimension_numbers = #tpu.dot_dimension_numbers<[0], [1], [1], [0], [0, 1, 1, 0], [], []>, transpose_lhs_hint = false} : vector<256x576xf32>, vector<512x256xf32>, vector<576x512xf32> -> vector<576x512xf32>
    %broadcast_in_dim3A_170 = vector.shape_cast %get3A_167 : vector<512xf32> to vector<1x512xf32>
    %add3A_171 = vector.broadcast %broadcast_in_dim3A_170 : vector<1x512xf32> to vector<576x512xf32>
    %add3A_172 = arith.addf %broadcast_in_dim3A_8, %add3A_171 : vector<576x512xf32>
    %sub3A_173 = arith.subf %add3A_172, %dot_general3A_169 : vector<576x512xf32>
    %lt3A_174 = arith.cmpf olt, %sub3A_173, %min3A_157 : vector<576x512xf32>
    %min3A_175 = arith.minimumf %sub3A_173, %min3A_157 : vector<576x512xf32>
    %jit3A_176 = arith.constant 9 : i32
    %broadcast_in_dim3A_177 = vector.broadcast %jit3A_176 : i32 to vector<576x512xi32>
    %select_n3A_178 = arith.select %lt3A_174, %broadcast_in_dim3A_177, %select_n3A_160 : vector<576x512xi1>, vector<576x512xi32>
    %get3A_179 = arith.constant 5120 : index
    %get3A_180 = arith.constant 0 : index
    %get3A_181 = vector.load %arg5[%get3A_179, %get3A_180] : memref<8192x256xf32, #tpu.memory_space<vmem>>, vector<512x256xf32>
    %get3A_182 = arith.constant 0 : index
    %get3A_183 = arith.constant 5120 : index
    %get3A_184 = vector.load %arg6[%get3A_182, %get3A_183] : memref<1x8192xf32, #tpu.memory_space<vmem>>, vector<1x512xf32>
    %get3A_185 = vector.shape_cast %get3A_184 : vector<1x512xf32> to vector<512xf32>
    %dot_general3A_186 = arith.constant dense<0.000000e+00> : vector<576x512xf32>
    %dot_general3A_187 = tpu.matmul %get3A_5, %get3A_181, %dot_general3A_186 {dimension_numbers = #tpu.dot_dimension_numbers<[0], [1], [1], [0], [0, 1, 1, 0], [], []>, transpose_lhs_hint = false} : vector<256x576xf32>, vector<512x256xf32>, vector<576x512xf32> -> vector<576x512xf32>
    %broadcast_in_dim3A_188 = vector.shape_cast %get3A_185 : vector<512xf32> to vector<1x512xf32>
    %add3A_189 = vector.broadcast %broadcast_in_dim3A_188 : vector<1x512xf32> to vector<576x512xf32>
    %add3A_190 = arith.addf %broadcast_in_dim3A_8, %add3A_189 : vector<576x512xf32>
    %sub3A_191 = arith.subf %add3A_190, %dot_general3A_187 : vector<576x512xf32>
    %lt3A_192 = arith.cmpf olt, %sub3A_191, %min3A_175 : vector<576x512xf32>
    %min3A_193 = arith.minimumf %sub3A_191, %min3A_175 : vector<576x512xf32>
    %jit3A_194 = arith.constant 10 : i32
    %broadcast_in_dim3A_195 = vector.broadcast %jit3A_194 : i32 to vector<576x512xi32>
    %select_n3A_196 = arith.select %lt3A_192, %broadcast_in_dim3A_195, %select_n3A_178 : vector<576x512xi1>, vector<576x512xi32>
    %get3A_197 = arith.constant 5632 : index
    %get3A_198 = arith.constant 0 : index
    %get3A_199 = vector.load %arg5[%get3A_197, %get3A_198] : memref<8192x256xf32, #tpu.memory_space<vmem>>, vector<512x256xf32>
    %get3A_200 = arith.constant 0 : index
    %get3A_201 = arith.constant 5632 : index
    %get3A_202 = vector.load %arg6[%get3A_200, %get3A_201] : memref<1x8192xf32, #tpu.memory_space<vmem>>, vector<1x512xf32>
    %get3A_203 = vector.shape_cast %get3A_202 : vector<1x512xf32> to vector<512xf32>
    %dot_general3A_204 = arith.constant dense<0.000000e+00> : vector<576x512xf32>
    %dot_general3A_205 = tpu.matmul %get3A_5, %get3A_199, %dot_general3A_204 {dimension_numbers = #tpu.dot_dimension_numbers<[0], [1], [1], [0], [0, 1, 1, 0], [], []>, transpose_lhs_hint = false} : vector<256x576xf32>, vector<512x256xf32>, vector<576x512xf32> -> vector<576x512xf32>
    %broadcast_in_dim3A_206 = vector.shape_cast %get3A_203 : vector<512xf32> to vector<1x512xf32>
    %add3A_207 = vector.broadcast %broadcast_in_dim3A_206 : vector<1x512xf32> to vector<576x512xf32>
    %add3A_208 = arith.addf %broadcast_in_dim3A_8, %add3A_207 : vector<576x512xf32>
    %sub3A_209 = arith.subf %add3A_208, %dot_general3A_205 : vector<576x512xf32>
    %lt3A_210 = arith.cmpf olt, %sub3A_209, %min3A_193 : vector<576x512xf32>
    %min3A_211 = arith.minimumf %sub3A_209, %min3A_193 : vector<576x512xf32>
    %jit3A_212 = arith.constant 11 : i32
    %broadcast_in_dim3A_213 = vector.broadcast %jit3A_212 : i32 to vector<576x512xi32>
    %select_n3A_214 = arith.select %lt3A_210, %broadcast_in_dim3A_213, %select_n3A_196 : vector<576x512xi1>, vector<576x512xi32>
    %get3A_215 = arith.constant 6144 : index
    %get3A_216 = arith.constant 0 : index
    %get3A_217 = vector.load %arg5[%get3A_215, %get3A_216] : memref<8192x256xf32, #tpu.memory_space<vmem>>, vector<512x256xf32>
    %get3A_218 = arith.constant 0 : index
    %get3A_219 = arith.constant 6144 : index
    %get3A_220 = vector.load %arg6[%get3A_218, %get3A_219] : memref<1x8192xf32, #tpu.memory_space<vmem>>, vector<1x512xf32>
    %get3A_221 = vector.shape_cast %get3A_220 : vector<1x512xf32> to vector<512xf32>
    %dot_general3A_222 = arith.constant dense<0.000000e+00> : vector<576x512xf32>
    %dot_general3A_223 = tpu.matmul %get3A_5, %get3A_217, %dot_general3A_222 {dimension_numbers = #tpu.dot_dimension_numbers<[0], [1], [1], [0], [0, 1, 1, 0], [], []>, transpose_lhs_hint = false} : vector<256x576xf32>, vector<512x256xf32>, vector<576x512xf32> -> vector<576x512xf32>
    %broadcast_in_dim3A_224 = vector.shape_cast %get3A_221 : vector<512xf32> to vector<1x512xf32>
    %add3A_225 = vector.broadcast %broadcast_in_dim3A_224 : vector<1x512xf32> to vector<576x512xf32>
    %add3A_226 = arith.addf %broadcast_in_dim3A_8, %add3A_225 : vector<576x512xf32>
    %sub3A_227 = arith.subf %add3A_226, %dot_general3A_223 : vector<576x512xf32>
    %lt3A_228 = arith.cmpf olt, %sub3A_227, %min3A_211 : vector<576x512xf32>
    %min3A_229 = arith.minimumf %sub3A_227, %min3A_211 : vector<576x512xf32>
    %jit3A_230 = arith.constant 12 : i32
    %broadcast_in_dim3A_231 = vector.broadcast %jit3A_230 : i32 to vector<576x512xi32>
    %select_n3A_232 = arith.select %lt3A_228, %broadcast_in_dim3A_231, %select_n3A_214 : vector<576x512xi1>, vector<576x512xi32>
    %get3A_233 = arith.constant 6656 : index
    %get3A_234 = arith.constant 0 : index
    %get3A_235 = vector.load %arg5[%get3A_233, %get3A_234] : memref<8192x256xf32, #tpu.memory_space<vmem>>, vector<512x256xf32>
    %get3A_236 = arith.constant 0 : index
    %get3A_237 = arith.constant 6656 : index
    %get3A_238 = vector.load %arg6[%get3A_236, %get3A_237] : memref<1x8192xf32, #tpu.memory_space<vmem>>, vector<1x512xf32>
    %get3A_239 = vector.shape_cast %get3A_238 : vector<1x512xf32> to vector<512xf32>
    %dot_general3A_240 = arith.constant dense<0.000000e+00> : vector<576x512xf32>
    %dot_general3A_241 = tpu.matmul %get3A_5, %get3A_235, %dot_general3A_240 {dimension_numbers = #tpu.dot_dimension_numbers<[0], [1], [1], [0], [0, 1, 1, 0], [], []>, transpose_lhs_hint = false} : vector<256x576xf32>, vector<512x256xf32>, vector<576x512xf32> -> vector<576x512xf32>
    %broadcast_in_dim3A_242 = vector.shape_cast %get3A_239 : vector<512xf32> to vector<1x512xf32>
    %add3A_243 = vector.broadcast %broadcast_in_dim3A_242 : vector<1x512xf32> to vector<576x512xf32>
    %add3A_244 = arith.addf %broadcast_in_dim3A_8, %add3A_243 : vector<576x512xf32>
    %sub3A_245 = arith.subf %add3A_244, %dot_general3A_241 : vector<576x512xf32>
    %lt3A_246 = arith.cmpf olt, %sub3A_245, %min3A_229 : vector<576x512xf32>
    %min3A_247 = arith.minimumf %sub3A_245, %min3A_229 : vector<576x512xf32>
    %jit3A_248 = arith.constant 13 : i32
    %broadcast_in_dim3A_249 = vector.broadcast %jit3A_248 : i32 to vector<576x512xi32>
    %select_n3A_250 = arith.select %lt3A_246, %broadcast_in_dim3A_249, %select_n3A_232 : vector<576x512xi1>, vector<576x512xi32>
    %get3A_251 = arith.constant 7168 : index
    %get3A_252 = arith.constant 0 : index
    %get3A_253 = vector.load %arg5[%get3A_251, %get3A_252] : memref<8192x256xf32, #tpu.memory_space<vmem>>, vector<512x256xf32>
    %get3A_254 = arith.constant 0 : index
    %get3A_255 = arith.constant 7168 : index
    %get3A_256 = vector.load %arg6[%get3A_254, %get3A_255] : memref<1x8192xf32, #tpu.memory_space<vmem>>, vector<1x512xf32>
    %get3A_257 = vector.shape_cast %get3A_256 : vector<1x512xf32> to vector<512xf32>
    %dot_general3A_258 = arith.constant dense<0.000000e+00> : vector<576x512xf32>
    %dot_general3A_259 = tpu.matmul %get3A_5, %get3A_253, %dot_general3A_258 {dimension_numbers = #tpu.dot_dimension_numbers<[0], [1], [1], [0], [0, 1, 1, 0], [], []>, transpose_lhs_hint = false} : vector<256x576xf32>, vector<512x256xf32>, vector<576x512xf32> -> vector<576x512xf32>
    %broadcast_in_dim3A_260 = vector.shape_cast %get3A_257 : vector<512xf32> to vector<1x512xf32>
    %add3A_261 = vector.broadcast %broadcast_in_dim3A_260 : vector<1x512xf32> to vector<576x512xf32>
    %add3A_262 = arith.addf %broadcast_in_dim3A_8, %add3A_261 : vector<576x512xf32>
    %sub3A_263 = arith.subf %add3A_262, %dot_general3A_259 : vector<576x512xf32>
    %lt3A_264 = arith.cmpf olt, %sub3A_263, %min3A_247 : vector<576x512xf32>
    %min3A_265 = arith.minimumf %sub3A_263, %min3A_247 : vector<576x512xf32>
    %jit3A_266 = arith.constant 14 : i32
    %broadcast_in_dim3A_267 = vector.broadcast %jit3A_266 : i32 to vector<576x512xi32>
    %select_n3A_268 = arith.select %lt3A_264, %broadcast_in_dim3A_267, %select_n3A_250 : vector<576x512xi1>, vector<576x512xi32>
    %get3A_269 = arith.constant 7680 : index
    %get3A_270 = arith.constant 0 : index
    %get3A_271 = vector.load %arg5[%get3A_269, %get3A_270] : memref<8192x256xf32, #tpu.memory_space<vmem>>, vector<512x256xf32>
    %get3A_272 = arith.constant 0 : index
    %get3A_273 = arith.constant 7680 : index
    %get3A_274 = vector.load %arg6[%get3A_272, %get3A_273] : memref<1x8192xf32, #tpu.memory_space<vmem>>, vector<1x512xf32>
    %get3A_275 = vector.shape_cast %get3A_274 : vector<1x512xf32> to vector<512xf32>
    %dot_general3A_276 = arith.constant dense<0.000000e+00> : vector<576x512xf32>
    %dot_general3A_277 = tpu.matmul %get3A_5, %get3A_271, %dot_general3A_276 {dimension_numbers = #tpu.dot_dimension_numbers<[0], [1], [1], [0], [0, 1, 1, 0], [], []>, transpose_lhs_hint = false} : vector<256x576xf32>, vector<512x256xf32>, vector<576x512xf32> -> vector<576x512xf32>
    %broadcast_in_dim3A_278 = vector.shape_cast %get3A_275 : vector<512xf32> to vector<1x512xf32>
    %add3A_279 = vector.broadcast %broadcast_in_dim3A_278 : vector<1x512xf32> to vector<576x512xf32>
    %add3A_280 = arith.addf %broadcast_in_dim3A_8, %add3A_279 : vector<576x512xf32>
    %sub3A_281 = arith.subf %add3A_280, %dot_general3A_277 : vector<576x512xf32>
    %lt3A_282 = arith.cmpf olt, %sub3A_281, %min3A_265 : vector<576x512xf32>
    %min3A_283 = arith.minimumf %sub3A_281, %min3A_265 : vector<576x512xf32>
    %jit3A_284 = arith.constant 15 : i32
    %broadcast_in_dim3A_285 = vector.broadcast %jit3A_284 : i32 to vector<576x512xi32>
    %select_n3A_286 = arith.select %lt3A_282, %broadcast_in_dim3A_285, %select_n3A_268 : vector<576x512xi1>, vector<576x512xi32>
    %reduce_min3A = arith.constant dense<0x7F800000> : vector<576xf32>
    %reduce_min3A_287 = vector.multi_reduction <minimumf>, %min3A_283, %reduce_min3A [1] : vector<576x512xf32> to vector<576xf32>
    %iota3A = tpu.iota {dimensions = array<i32: 1>} : vector<576x512xi32>
    %mul3A_288 = arith.constant 512 : i32
    %mul3A_289 = vector.broadcast %mul3A_288 : i32 to vector<576x512xi32>
    %mul3A_290 = arith.muli %select_n3A_286, %mul3A_289 : vector<576x512xi32>
    %add3A_291 = arith.addi %mul3A_290, %iota3A : vector<576x512xi32>
    %broadcast_in_dim3A_292 = vector.shape_cast %reduce_min3A_287 : vector<576xf32> to vector<576x1xf32>
    %eq3A_293 = vector.broadcast %broadcast_in_dim3A_292 : vector<576x1xf32> to vector<576x512xf32>
    %eq3A_294 = arith.cmpf oeq, %min3A_283, %eq3A_293 : vector<576x512xf32>
    %jit3A_295 = arith.constant 8192 : i32
    %broadcast_in_dim3A_296 = vector.broadcast %jit3A_295 : i32 to vector<576x512xi32>
    %select_n3A_297 = arith.select %eq3A_294, %add3A_291, %broadcast_in_dim3A_296 : vector<576x512xi1>, vector<576x512xi32>
    %reduce_min3A_298 = arith.constant dense<2147483647> : vector<576xi32>
    %reduce_min3A_299 = vector.multi_reduction <minsi>, %select_n3A_297, %reduce_min3A_298 [1] : vector<576x512xi32> to vector<576xi32>
    %swap3A = arith.constant 0 : index
    %swap3A_300 = arith.constant 0 : index
    %swap3A_301 = arith.constant 0 : index
    %swap3A_302 = vector.load %arg3[%swap3A, %swap3A_300, %swap3A_301] : memref<1x1x576xi32, #tpu.memory_space<vmem>>, vector<1x1x576xi32>
    %swap3A_303 = vector.shape_cast %swap3A_302 : vector<1x1x576xi32> to vector<576xi32>
    %swap3A_304 = vector.shape_cast %reduce_min3A_299 : vector<576xi32> to vector<1x1x576xi32>
    tpu.vector_store %arg3[%swap3A, %swap3A_300, %swap3A_301], %swap3A_304 {strides = array<i32>} : memref<1x1x576xi32, #tpu.memory_space<vmem>>, vector<1x1x576xi32>,
    %eq3A_305 = arith.constant 0 : i32
    %eq3A_306 = arith.cmpi eq, %arg0, %eq3A_305 : i32
    %convert_element_type3A_307 = arith.extui %eq3A_306 : i1 to i32
    %cond3A_308 = arith.constant 0 : i32
    %cond3A_309 = arith.cmpi ne, %convert_element_type3A_307, %cond3A_308 : i32
    scf.if %cond3A_309 {
      %swap3A_329 = arith.constant 0.000000e+00 : f32
      %swap3A_330 = arith.constant 0 : index
      %swap3A_331 = arith.constant 0 : index
      %swap3A_332 = memref.load %arg4[%swap3A_330, %swap3A_331] : memref<1x1xf32, #tpu.memory_space<smem>>
      memref.store %swap3A_329, %arg4[%swap3A_330, %swap3A_331] : memref<1x1xf32, #tpu.memory_space<smem>>
    } else {
    }
    %get3A_310 = arith.constant 0 : index
    %get3A_311 = arith.constant 0 : index
    %get3A_312 = memref.load %arg4[%get3A_310, %get3A_311] : memref<1x1xf32, #tpu.memory_space<smem>>
    %max3A = arith.constant 0.000000e+00 : f32
    %max3A_313 = vector.broadcast %max3A : f32 to vector<576xf32>
    %max3A_314 = arith.maximumf %reduce_min3A_287, %max3A_313 : vector<576xf32>
    %reduce_sum3A_315 = vector.shape_cast %max3A_314 : vector<576xf32> to vector<1x576xf32>
    %reduce_sum3A_316 = arith.constant dense<0.000000e+00> : vector<1xf32>
    %reduce_sum3A_317 = vector.multi_reduction <add>, %reduce_sum3A_315, %reduce_sum3A_316 [1] : vector<1x576xf32> to vector<1xf32>
    %reduce_sum3A_318 = vector.shape_cast %reduce_sum3A_317 : vector<1xf32> to vector<1x1xf32>
    %reduce_sum3A_319 = vector.extract %reduce_sum3A_318[0, 0] : f32 from vector<1x1xf32>
    %add3A_320 = arith.addf %get3A_312, %reduce_sum3A_319 : f32
    %swap3A_321 = arith.constant 0 : index
    %swap3A_322 = arith.constant 0 : index
    %swap3A_323 = memref.load %arg4[%swap3A_321, %swap3A_322] : memref<1x1xf32, #tpu.memory_space<smem>>
    memref.store %add3A_320, %arg4[%swap3A_321, %swap3A_322] : memref<1x1xf32, #tpu.memory_space<smem>>
    %eq3A_324 = arith.constant 31 : i32
    %eq3A_325 = arith.cmpi eq, %arg0, %eq3A_324 : i32
    %convert_element_type3A_326 = arith.extui %eq3A_325 : i1 to i32
    %cond3A_327 = arith.constant 0 : i32
    %cond3A_328 = arith.cmpi ne, %convert_element_type3A_326, %cond3A_327 : i32
    scf.if %cond3A_328 {
      %get3A_329 = arith.constant 0 : index
      %get3A_330 = arith.constant 0 : index
      %get3A_331 = memref.load %arg4[%get3A_329, %get3A_330] : memref<1x1xf32, #tpu.memory_space<smem>>
      %div3A = arith.constant 0x4A900000 : f32
      %div3A_332 = arith.divf %get3A_331, %div3A : f32
      %mul3A_333 = arith.constant 2.500000e-01 : f32
      %mul3A_334 = arith.mulf %mul3A_333, %div3A_332 : f32
      %add3A_335 = arith.addf %div3A_332, %mul3A_334 : f32
      %swap3A_336 = arith.constant 0 : index
      %swap3A_337 = arith.constant 0 : index
      %swap3A_338 = memref.load %arg4[%swap3A_336, %swap3A_337] : memref<1x1xf32, #tpu.memory_space<smem>>
      memref.store %add3A_335, %arg4[%swap3A_336, %swap3A_337] : memref<1x1xf32, #tpu.memory_space<smem>>
    } else {
    }
    return
  }
  func.func @transform_0(%arg0: i32) -> (i32, i32, i32) {
    %c0_i32 = arith.constant 0 : i32
    %c0_i32_0 = arith.constant 0 : i32
    %c0_i32_1 = arith.constant 0 : i32
    return %arg0, %c0_i32, %c0_i32_0 : i32, i32, i32
  }
  func.func @transform_1(%arg0: i32) -> (i32, i32) {
    %c0_i32 = arith.constant 0 : i32
    %c0_i32_0 = arith.constant 0 : i32
    %c0_i32_1 = arith.constant 0 : i32
    return %c0_i32, %c0_i32_0 : i32, i32
  }
  func.func @transform_2(%arg0: i32) -> (i32, i32, i32) {
    %c0_i32 = arith.constant 0 : i32
    %c0_i32_0 = arith.constant 0 : i32
    %c0_i32_1 = arith.constant 0 : i32
    return %arg0, %c0_i32, %c0_i32_0 : i32, i32, i32
  }
  func.func @transform_3(%arg0: i32) -> (i32, i32) {
    %c0_i32 = arith.constant 0 : i32
    %c0_i32_0 = arith.constant 0 : i32
    %c0_i32_1 = arith.constant 0 : i32
    return %c0_i32, %c0_i32_0 : i32, i32
  }
}

</mosaic_0001>

<sc_bundles>
// kernel: kernel.4.cloned.1.call-start
scs
__scs_entry_jumppad:
0x0: {  	(pc) =	sbr.rel $0x88, $3  }
0x1: {  	(tag) =	ssettag $0x0;
	lr =	simm.s32 $0x1  }
0x2: {  	[smem:$0x3F9F] =	sst lr;
	_ =	strace $0xD0000000  }
0x3: {  	_ = 	snop  }
0x4: {  	_ = 	snop  }
0x5: {  	_ = 	snop  }
0x6: {  	_ = 	snop  }
0x7: {  	_ = 	snop  }
__scs_overlays_trampoline_lowered:
0x8: {  	[smem:$0x3FAE] =	sst s0  }
0x9: {  	[smem:$0x3FAF] =	sst s1  }
0xa: {  	[smem:$0x3FB0] =	sst s2  }
0xb: {  	[smem:$0x3FB1] =	sst s3  }
0xc: {  	[smem:$0x3FB2] =	sst s4  }
0xd: {  	[smem:$0x3FB3] =	sst s5  }
0xe: {  	[smem:$0x3FB4] =	sst s6  }
0xf: {  	[smem:$0x3FB5] =	sst s7  }
0x10: {  	[smem:$0x3FB6] =	sst s8  }
0x11: {  	[smem:$0x3FB7] =	sst s9;
	s0 =	simm.s32 @!p0 $0x0  }
0x12: {  	s1 =	sld [smem:$0x3F9D];
	s0 =	simm.s32 @p0 $0x1  }
0x13: {  	[smem:$0x3FB8] =	sst s0;
	s0 =	simm.s32 @!p1 $0x0  }
0x14: {  	s2 =	sld [smem:$0x3F9C];
	s0 =	simm.s32 @p1 $0x1  }
0x15: {  	[smem:$0x3FB9] =	sst s0;
	s0 =	simm.s32 @!p2 $0x0  }
0x16: {  	s3 =	sld [smem:$0x3FDB];
	s0 =	simm.s32 @p2 $0x1  }
0x17: {  	s4 =	simm.s32 $0x1BF5;
	[smem:$0x3FBB] =	sst s0  }
0x18: {  	s0 =	sld [smem:$0x3F9E];
	_ =	swait.ge [sflag:s4], $0x0  }
0x19: {  	s7 =	sld [smem:$0x3F9F]  }
0x1a: {  	s8 =	sadd.s32 $0xFFFFE003, lr  }
0x1b: {  	s9 =	sadd.s32 $0xFFFFFEF7, lr;
	s5 =	simm.s32 $0xFFFFFFFF;
	p2 =	slt.u32 s8, $0xFFFFF086  }
0x1c: {  	p1 =	slt.u32 s9, $0xF7A;
	s5 =	simm.s32 @!p2 $0x0  }
0x1d: {  	s5 =	simm.s32 @p1 $0x1;
	p0 =	seq.s32 s7, s2  }
0x1e: {  	s7 =	smul.u32 @!p0 $0xF7A, s2;
	p2 =	seq.s32 @!p0 s5, $0x0  }
0x1f: {  	s9 =	smul.u32 $0xF7A, s1;
	s8 =	simm.s32 @!p0 $0x1BF5;
	p2 =	por !p2, p0  }
0x20: {  	[sflag:s8] =	ssyncset.s32 @!p0 $0xFFFFF086;
	s6 =	sadd.s32 @!p0 s3, s7;
	s7 =	simm.s32 @!p0 $0x108  }
0x21: {  	s3 =	sadd.s32 s3, s9;
	s6 =	sadd.s32 @!p0 $0x88, s6;
	s7 =	simm.s32 @p2 $0x1082  }
0x22: {  	[simem:s7], [sflag:s8] =	dma.local @!p0 [hbm:s6], $0xF7A  }
0x23: {  	s9 =	sor.u32 $0xD0000000, s2;
	s6 =	simm.s32 $0x108;
	_ =	swait.ge @!p0 [sflag:s8], $0x0  }
0x24: {  	s3 =	sadd.s32 $0x88, s3;
	s6 =	simm.s32 @!p1 $0x1082;
	[sflag:s4] =	ssyncset.s32 $0xFFFFF086  }
0x25: {  	[simem:s6], [sflag:s4] =	dma.local [hbm:s3], $0xF7A  }
0x26: {  	[smem:$0x3F9F] =	sst s1;
	(tag) =	ssettag s2;
	_ =	strace s9  }
0x27: {  	s1 =	sld [smem:$0x3FAF]  }
0x28: {  	s2 =	sld [smem:$0x3FB0]  }
0x29: {  	s4 =	sld [smem:$0x3FB2]  }
0x2a: {  	p0 =	seq.s32 s5, $0x0;
	s5 =	sld [smem:$0x3FB3]  }
0x2b: {  	s6 =	sld [smem:$0x3FB4]  }
0x2c: {  	s7 =	sld [smem:$0x3FB5]  }
0x2d: {  	s3 =	simm.s32 $0x108;
	s8 =	sld [smem:$0x3FB6]  }
0x2e: {  	s3 =	simm.s32 @!p0 $0x1082;
	s9 =	sld [smem:$0x3FB7]  }
0x2f: {  	lr =	sadd.s32 s0, s3;
	s0 =	sld [smem:$0x3FAE]  }
0x30: {  	s3 =	sld [smem:$0x3FB1]  }
0x31: {  	[smem:$0x3FBA] =	sst s10  }
0x32: {  	s10 =	sld [smem:$0x3FB8];
	_ =	sdelay $0x3  }
0x33: {  	p0 =	seq.s32 s10, $0x1;
	s10 =	sld [smem:$0x3FBA];
	_ =	sdelay $0x3  }
0x34: {  	[smem:$0x3FBA] =	sst s10  }
0x35: {  	s10 =	sld [smem:$0x3FB9];
	_ =	sdelay $0x3  }
0x36: {  	p1 =	seq.s32 s10, $0x1;
	s10 =	sld [smem:$0x3FBA];
	_ =	sdelay $0x3  }
0x37: {  	[smem:$0x3FBA] =	sst s10  }
0x38: {  	s10 =	sld [smem:$0x3FBB]  }
0x39: {  	_ = 	snop;
	(pc) =	sbr.ind lr, $3  }
0x3a: {  	_ = 	snop  }
0x3b: {  	_ = 	snop  }
0x3c: {  	p2 =	seq.s32 s10, $0x1;
	s10 =	sld [smem:$0x3FBA]  }
0x3d: {  	_ =	shalt  }
0x3e: {  	_ =	shalt  }
0x3f: {  	_ =	shalt  }
0x40: {  	_ =	shalt  }
0x41: {  	_ =	shalt  }
0x42: {  	_ =	shalt  }
0x43: {  	_ =	shalt  }
0x44: {  	_ =	shalt  }
0x45: {  	_ =	shalt  }
0x46: {  	_ =	shalt  }
0x47: {  	_ =	shalt  }
0x48: {  	_ =	shalt  }
0x49: {  	_ =	shalt  }
0x4a: {  	_ =	shalt  }
0x4b: {  	_ =	shalt  }
0x4c: {  	_ =	shalt  }
0x4d: {  	_ =	shalt  }
0x4e: {  	_ =	shalt  }
0x4f: {  	_ =	shalt  }
0x50: {  	_ =	shalt  }
0x51: {  	_ =	shalt  }
0x52: {  	_ =	shalt  }
0x53: {  	_ =	shalt  }
0x54: {  	_ =	shalt  }
0x55: {  	_ =	shalt  }
0x56: {  	_ =	shalt  }
0x57: {  	_ =	shalt  }
0x58: {  	_ =	shalt  }
0x59: {  	_ =	shalt  }
0x5a: {  	_ =	shalt  }
0x5b: {  	_ =	shalt  }
0x5c: {  	_ =	shalt  }
0x5d: {  	_ =	shalt  }
0x5e: {  	_ =	shalt  }
0x5f: {  	_ =	shalt  }
0x60: {  	_ =	shalt  }
0x61: {  	_ =	shalt  }
0x62: {  	_ =	shalt  }
0x63: {  	_ =	shalt  }
0x64: {  	_ =	shalt  }
0x65: {  	_ =	shalt  }
0x66: {  	_ =	shalt  }
0x67: {  	_ =	shalt  }
0x68: {  	_ =	shalt  }
0x69: {  	_ =	shalt  }
0x6a: {  	_ =	shalt  }
0x6b: {  	_ =	shalt  }
0x6c: {  	_ =	shalt  }
0x6d: {  	_ =	shalt  }
0x6e: {  	_ =	shalt  }
0x6f: {  	_ =	shalt  }
0x70: {  	_ =	shalt  }
0x71: {  	_ =	shalt  }
0x72: {  	_ =	shalt  }
0x73: {  	_ =	shalt  }
0x74: {  	_ =	shalt  }
0x75: {  	_ =	shalt  }
0x76: {  	_ =	shalt  }
0x77: {  	_ =	shalt  }
0x78: {  	_ =	shalt  }
0x79: {  	_ =	shalt  }
0x7a: {  	_ =	shalt  }
0x7b: {  	_ =	shalt  }
0x7c: {  	_ =	shalt  }
0x7d: {  	_ =	shalt  }
0x7e: {  	_ =	shalt  }
0x7f: {  	_ =	shalt  }
0x80: {  	_ =	shalt  }
0x81: {  	_ =	shalt  }
0x82: {  	_ =	shalt  }
0x83: {  	_ =	shalt  }
0x84: {  	_ =	shalt  }
0x85: {  	_ =	shalt  }
0x86: {  	_ =	shalt  }
0x87: {  	_ =	shalt  }
.Lfunc_end0:
.L_simem_size_0:
called_computation_lowered:
.L_overlay_start_0:
0x88: {  	s2 =	sld [smem:$0x3FD9]  }
0x89: {  	s3 =	sld [smem:$0x3FFE];
	_ =	sdelay $0x1  }
0x8a: {  	s1 =	srdreg.scid  }
0x8b: {  	s0 =	sand.u32 $0x1, s1  }
0x8c: {  	s14 =	sshll.u32 s0, $0xA;
	s2 =	sadd.s32 s3, s2  }
0x8d: {  	s2 =	sadd.s32 s2, s14  }
0x8e: {  	[smem:$0x3FC6] =	sst s2  }
0x8f: {  	_ = 	snop  }
0x90: {  	s2 =	sld [smem:$0x3FD0];
	_ =	sdelay $0x2  }
0x91: {  	s4 =	simm.s32 $0xA;
	s5 =	simm.s32 $0x10;
	s15 =	sld [smem:$0x3FC8]  }
0x92: {  	[smem:s5], [sflag:s4] =	dma.local [hbm:s2], $0x1  }
0x93: {  	_ =	swait.eq [sflag:s4], $0x1  }
0x94: {  	[sflag:s4] =	ssyncset.done $0x0  }
0x95: {  	[sflag:s4] =	ssyncadd.s32 $0xFFFFFFFF  }
0x96: {  	s16 =	sld [smem:$0x10];
	(tm) =	ssettm $0x1  }
0x97: {  	s17 =	sld [smem:$0x3FFB];
	_ =	sdelay $0x3  }
0x98: {  	_ =	strace s17  }
0x99: {  	s4 =	sld [smem:$0x3FFC];
	_ =	sdelay $0x3  }
0x9a: {  	_ =	strace s4  }
0x9b: {  	s4 =	sld [smem:$0x3FFD];
	_ =	sdelay $0x3  }
0x9c: {  	_ =	strace s4  }
0x9d: {  	_ =	strace $0x8FFFFFFF  }
0x9e: {  	s18 =	sld [smem:$0x3FDB];
	_ =	sdelay $0x1  }
0x9f: {  	s19 =	simm.s32 $_scs_section_size  }
0xa0: {  	s6 =	simm.s32 $_size__tile_overlayer_lowered;
	s7 =	simm.s32 $_tile_overlayer_lowered  }
0xa1: {  	s22 =	simm.s32 $0x1BFF;
	s21 =	sshll.u32 s7, $0x1;
	s4 =	sadd.s32 s19, s18  }
0xa2: {  	s8 =	simm.s32 $0x0;
	s20 =	sshll.u32 s6, $0x1;
	s6 =	sadd.s32 s21, s4  }
0xa3: {  	[timem:s8], [sflag:s22] =	dma.local [hbm:s6], s20  }
0xa4: {  	_ =	swait.ge [sflag:s22], s20  }
0xa5: {  	s5 =	ssub.s32 $0x0, s20;
	[sflag:s22] =	ssyncset.done $0x0  }
0xa6: {  	[sflag:s22] =	ssyncadd.s32 s5;
	_ =	sdelay $0x1  }
0xa7: {  	s23 =	simm.s32 $0x1B8B  }
0xa8: {  	_ =	swait.ge [sflag:s23], $0x1  }
0xa9: {  	[sflag:s23] =	ssyncset.done $0x0  }
0xaa: {  	s25 =	simm.s32 $0x1B8E;
	s24 =	sld [smem:$0x3FFE];
	[sflag:s23] =	ssyncadd.s32 $0xFFFFFFFF  }
0xab: {  	s26 =	simm.s32 $execute0_lowered;
	[smem:$0x3FD2] =	sst s25  }
0xac: {  	s6 =	sshll.u32 s26, $0x1;
	_ =	strace $0x80000046;
	[dreg:$0x1] =	wrdreg $0xFFFFFFFF  }
0xad: {  	s28 =	simm.s32 $_size_execute0_lowered;
	s4 =	sadd.s32 s4, s6;
	[dreg:$0x0] =	wrdreg $0x0  }
0xae: {  	s6 =	sshll.u32 s28, $0x1;
	[dreg:$0x2] =	wrdreg s4  }
0xaf: {  	[dreg:$0x3] =	wrdreg s6  }
0xb0: {  	[dreg:$0x4] =	wrdreg $0xC0  }
0xb1: {  	_ =	task [dreg:s8], $0x5FFFF  }
0xb2: {  	[dreg:$0x1] =	wrdreg $0xFFFFFFFF  }
0xb3: {  	[dreg:$0x0] =	wrdreg $0x60  }
0xb4: {  	[dreg:$0x2] =	wrdreg s15  }
0xb5: {  	[dreg:$0x3] =	wrdreg s24  }
0xb6: {  	[dreg:$0x4] =	wrdreg s16  }
0xb7: {  	[dreg:$0x5] =	wrdreg $0x9  }
0xb8: {  	_ =	task.clear_ibuf [dreg:s8], $0x6FFFF;
	_ =	strace $0x90000046  }
0xb9: {  	s29 =	simm.s32 $0x9;
	_ =	strace $0x80000048  }
0xba: {  	_ =	swait.ge [sflag:s29], $0x1  }
0xbb: {  	[sflag:s29] =	ssyncadd.s32 $0xFFFFFFFF  }
0xbc: {  	_ =	strace $0x90000048  }
0xbd: {  	_ =	sfence  }
0xbe: {  	s30 =	sld [smem:$0x0];
	_ =	sdelay $0x2  }
0xbf: {  	s31 =	sshll.u32 s1, $0xD;
	s1 =	sshrl.u32 s1, $0x2  }
0xc0: {  	s3 =	sand.u32 $0x4000, s31;
	s1 =	sadd.s32 s1, s30  }
0xc1: {  	s0 =	sor.u32 s3, s0;
	s1 =	sshll.u32 s1, $0x11  }
0xc2: {  	s0 =	sor.u32 s1, s0  }
0xc3: {  	s0 =	sadd.s32 $0x8F2B, s0  }
0xc4: {  	[sflag:s0] =	ssyncadd.remote.s32 $0x1  }
0xc5: {  	_ =	sfence.sel $0xFFFF  }
0xc6: {  	[dreg:$0x0] =	wrdreg $0xFFFFFFFF;
	(pc) =	sbr.abs _section_cstart, $3  }
0xc7: {  	[dreg:$0x1] =	wrdreg $0xFFFFFFFF  }
0xc8: {  	_ =	task.clear_ibuf [dreg:s8], $0x2FFFF;
	_ =	strace $0x9FFFFFFF  }
0xc9: {  	(tm) =	ssettm $0x7FFFFFFF  }
tec
execute0_lowered:
.L_overlay_start_1:
0x0: {  	(tag) =	ssettag $0x1  }
0x1: {  	s1 =	rddreg [dreg:$0x0]  }
0x2: {  	s0 =	rddreg [dreg:$0x1]  }
0x3: {  	s2 =	srdreg.scid;
	s3 =	stileid.u32  }
0x4: {  	s4 =	rddreg [dreg:$0x2];
	s28 =	simm.s32 $0x9900;
	s29 =	simm.s32 $0xA100  }
0x5: {  	s30 =	simm.s32 $0xA900;
	s2 =	sand.u32 $0x1, s2;
	s5 =	sshll.u32 s3, $0x1  }
0x6: {  	s31 =	simm.s32 $0xB100;
	s3 =	simm.s32 $0x0;
	s5 =	sor.u32 s2, s5  }
0x7: {  	s0 =	sadd.s32 $0x400, s0;
	s2 =	ssub.s32 $0x2, s2;
	s6 =	smul.u32 $0x240, s5  }
0x8: {  	[smem:$0x7FF] =	sst s3;
	s5 =	smul.u32 $0x4800, s5;
	s19 =	sshrl.u32 s2, $0x1  }
0x9: {  	_ =	strace $0x80000047;
	s2 =	ssub.s32 s2, s19;
	s19 =	simm.s32 $0x100  }
0xa: {  	s7 =	sshrl.u32 s6, $0x3;
	s8 =	sadd.s32 $0x60, s6;
	s5 =	sadd.s32 s4, s5  }
0xb: {  	s11 =	sadd.s32 $0xC0, s6;
	s13 =	sadd.s32 $0x120, s6;
	s18 =	sadd.s32 $0x180, s6  }
0xc: {  	s6 =	sadd.s32 $0x1E0, s6;
	s7 =	sadd.s32 s0, s7;
	s9 =	sshrl.u32 s8, $0x3  }
0xd: {  	[dreg:$0x6] =	wrdreg s5;
	s12 =	sshrl.u32 s11, $0x3;
	s8 =	sshll.u32 s8, $0x5  }
0xe: {  	s15 =	sshrl.u32 s13, $0x3;
	s20 =	sshrl.u32 s18, $0x3;
	s22 =	sshrl.u32 s6, $0x3  }
0xf: {  	s23 =	sshll.u32 s18, $0x5;
	s25 =	sshll.u32 s6, $0x5;
	s18 =	simm.s32 $0x5900  }
0x10: {  	s6 =	simm.s32 $0x6100;
	[dreg:$0x4] =	wrdreg s7;
	s10 =	sadd.s32 s0, s9  }
0x11: {  	s5 =	sadd.s32 s0, s12;
	s14 =	sadd.s32 s4, s8;
	s16 =	sadd.s32 s0, s15  }
0x12: {  	s7 =	sshll.u32 s11, $0x5;
	s9 =	sshll.u32 s13, $0x5;
	s24 =	sadd.s32 s4, s23  }
0x13: {  	s26 =	sadd.s32 s4, s25;
	s8 =	simm.s32 $0x900;
	[dreg:$0x5] =	wrdreg s10  }
0x14: {  	s11 =	simm.s32 $0x2100;
	s12 =	simm.s32 $0x2900;
	[dreg:$0x7] =	wrdreg s5  }
0x15: {  	s13 =	simm.s32 $0x3100;
	s15 =	simm.s32 $0x4100;
	[dreg:$0x8] =	wrdreg s14  }
0x16: {  	s23 =	simm.s32 $0x7900;
	s25 =	simm.s32 $0x8900;
	[dreg:$0x9] =	wrdreg s16  }
0x17: {  	s17 =	sadd.s32 s4, s7;
	s5 =	sadd.s32 s0, s20;
	[dreg:$0xe] =	wrdreg s24  }
0x18: {  	s21 =	sadd.s32 s4, s9;
	s0 =	sadd.s32 s0, s22;
	[dreg:$0xf] =	wrdreg s26  }
0x19: {  	s4 =	smax.u32 s2, $0x1;
	s2 =	simm.s32 $0x1;
	s9 =	simm.s32 $0x1100  }
0x1a: {  	s10 =	simm.s32 $0x1900;
	s14 =	simm.s32 $0x3900;
	[dreg:$0xa] =	wrdreg s17  }
0x1b: {  	s16 =	simm.s32 $0x4900;
	s20 =	simm.s32 $0x80;
	[dreg:$0xb] =	wrdreg s5  }
0x1c: {  	v2 =	vlaneseq.u32;
	s22 =	simm.s32 $0x7100;
	s24 =	simm.s32 $0x8100;
	[dreg:$0xc] =	wrdreg s21  }
0x1d: {  	vm0 =	vmmov $0xffff;
	v1 =	vshrl.u32 v2, $0x3;
	s26 =	simm.s32 $0x9100;
	[dreg:$0xd] =	wrdreg s0;
	s5 =	simm.s32 $0x3  }
0x1e: {  	v0 =	vand.u32 $0x7, v2;
	v2 =	vor.u32 $0x8, v2;
	v1 =	vmul.u32 $0x8, v1;
	s0 =	simm.s32 $0x2;
	s17 =	simm.s32 $0x5100;
	s21 =	simm.s32 $0x6900  }
.LBB2_1:
0x1f: {  	s7 =	rddreg [dreg:$0x4]  }
0x20: {  	[tilespmem:s3], [sflag:$0x3] =	stream.linear.gather [hbm4b:s7+s3], $0x60, $0x38;
	[tilespmem:$0xC100] =	vst v63  }
0x21: {  	_ =	swait.ge [sflag:s5], $0x60  }
0x22: {  	[sflag:s5] =	ssyncset.done $0x0  }
0x23: {  	[sflag:s5] =	ssyncadd.s32 $0xFFFFFFA0  }
0x24: {  	v3 =	vld [tilespmem:$0x0];
	_ =	sdelay $0x4  }
0x25: {  	v4 =	vshll.u32 v3, $0x1  }
0x26: {  	v3 =	vand.u32 $0x7, v3;
	v4 =	vand.u32 $0xFFFFFFF0, v4  }
0x27: {  	v3 =	vor.u32 v3, v4  }
0x28: {  	v4 =	vperm.xlane v3, v0;
	_ =	sdelay $0x1  }
0x29: {  	v3 =	vperm.xlane v3, v2;
	v4 =	vadd.s32 v1, v4;
	_ =	sdelay $0x1  }
0x2a: {  	v3 =	vadd.s32 v1, v3;
	_ =	sdelay $0x2  }
0x2b: {  	[tilespmem:s19], [sflag:$0x1] =	stream.indirect_vreg.gather [hbm4b:s1+s3], $0x80, v4, vm0, $0xb8;
	[tilespmem:$0xC100] =	vst v63  }
0x2c: {  	_ = 	snop  }
0x2d: {  	[tilespmem:s8], [sflag:$0x1] =	stream.indirect_vreg.gather [hbm4b:s1+s3], $0x80, v3, vm0, $0xb8;
	[tilespmem:$0xC100] =	vst v63  }
0x2e: {  	v3 =	vld [tilespmem:$0x10];
	_ =	sdelay $0x4  }
0x2f: {  	v29 =	vshll.u32 v3, $0x1  }
0x30: {  	v3 =	vand.u32 $0x7, v3;
	v4 =	vand.u32 $0xFFFFFFF0, v29  }
0x31: {  	v3 =	vor.u32 v3, v4  }
0x32: {  	v4 =	vperm.xlane v3, v0;
	_ =	sdelay $0x1  }
0x33: {  	v3 =	vperm.xlane v3, v2;
	v4 =	vadd.s32 v1, v4;
	_ =	sdelay $0x1  }
0x34: {  	v3 =	vadd.s32 v1, v3;
	_ =	sdelay $0x2  }
0x35: {  	[tilespmem:s9], [sflag:$0x1] =	stream.indirect_vreg.gather [hbm4b:s1+s3], $0x80, v4, vm0, $0xb8;
	[tilespmem:$0xC100] =	vst v63  }
0x36: {  	_ = 	snop  }
0x37: {  	[tilespmem:s10], [sflag:$0x1] =	stream.indirect_vreg.gather [hbm4b:s1+s3], $0x80, v3, vm0, $0xb8;
	[tilespmem:$0xC100] =	vst v63  }
0x38: {  	v3 =	vld [tilespmem:$0x20];
	_ =	sdelay $0x4  }
0x39: {  	v30 =	vshll.u32 v3, $0x1  }
0x3a: {  	v3 =	vand.u32 $0x7, v3;
	v4 =	vand.u32 $0xFFFFFFF0, v30  }
0x3b: {  	v3 =	vor.u32 v3, v4  }
0x3c: {  	v4 =	vperm.xlane v3, v0;
	_ =	sdelay $0x1  }
0x3d: {  	v3 =	vperm.xlane v3, v2;
	v4 =	vadd.s32 v1, v4;
	_ =	sdelay $0x1  }
0x3e: {  	v3 =	vadd.s32 v1, v3;
	_ =	sdelay $0x2  }
0x3f: {  	[tilespmem:s11], [sflag:$0x1] =	stream.indirect_vreg.gather [hbm4b:s1+s3], $0x80, v4, vm0, $0xb8;
	[tilespmem:$0xC100] =	vst v63  }
0x40: {  	_ = 	snop  }
0x41: {  	[tilespmem:s12], [sflag:$0x1] =	stream.indirect_vreg.gather [hbm4b:s1+s3], $0x80, v3, vm0, $0xb8;
	[tilespmem:$0xC100] =	vst v63  }
0x42: {  	v3 =	vld [tilespmem:$0x30];
	_ =	sdelay $0x4  }
0x43: {  	v31 =	vshll.u32 v3, $0x1  }
0x44: {  	v3 =	vand.u32 $0x7, v3;
	v4 =	vand.u32 $0xFFFFFFF0, v31  }
0x45: {  	v3 =	vor.u32 v3, v4  }
0x46: {  	v4 =	vperm.xlane v3, v0;
	_ =	sdelay $0x1  }
0x47: {  	v3 =	vperm.xlane v3, v2;
	v4 =	vadd.s32 v1, v4;
	_ =	sdelay $0x1  }
0x48: {  	v3 =	vadd.s32 v1, v3;
	_ =	sdelay $0x2  }
0x49: {  	[tilespmem:s13], [sflag:$0x1] =	stream.indirect_vreg.gather [hbm4b:s1+s3], $0x80, v4, vm0, $0xb8;
	[tilespmem:$0xC100] =	vst v63  }
0x4a: {  	_ = 	snop  }
0x4b: {  	[tilespmem:s14], [sflag:$0x1] =	stream.indirect_vreg.gather [hbm4b:s1+s3], $0x80, v3, vm0, $0xb8;
	[tilespmem:$0xC100] =	vst v63  }
0x4c: {  	v3 =	vld [tilespmem:$0x40];
	_ =	sdelay $0x4  }
0x4d: {  	v32 =	vshll.u32 v3, $0x1  }
0x4e: {  	v3 =	vand.u32 $0x7, v3;
	v4 =	vand.u32 $0xFFFFFFF0, v32  }
0x4f: {  	v3 =	vor.u32 v3, v4  }
0x50: {  	v4 =	vperm.xlane v3, v0;
	_ =	sdelay $0x1  }
0x51: {  	v3 =	vperm.xlane v3, v2;
	v4 =	vadd.s32 v1, v4;
	_ =	sdelay $0x1  }
0x52: {  	v3 =	vadd.s32 v1, v3;
	_ =	sdelay $0x2  }
0x53: {  	[tilespmem:s15], [sflag:$0x1] =	stream.indirect_vreg.gather [hbm4b:s1+s3], $0x80, v4, vm0, $0xb8;
	[tilespmem:$0xC100] =	vst v63  }
0x54: {  	_ = 	snop  }
0x55: {  	[tilespmem:s16], [sflag:$0x1] =	stream.indirect_vreg.gather [hbm4b:s1+s3], $0x80, v3, vm0, $0xb8;
	[tilespmem:$0xC100] =	vst v63  }
0x56: {  	v3 =	vld [tilespmem:$0x50];
	_ =	sdelay $0x4  }
0x57: {  	v33 =	vshll.u32 v3, $0x1  }
0x58: {  	v3 =	vand.u32 $0x7, v3;
	v4 =	vand.u32 $0xFFFFFFF0, v33  }
0x59: {  	v3 =	vor.u32 v3, v4  }
0x5a: {  	v4 =	vperm.xlane v3, v0;
	_ =	sdelay $0x1  }
0x5b: {  	v3 =	vperm.xlane v3, v2;
	v4 =	vadd.s32 v1, v4;
	_ =	sdelay $0x1  }
0x5c: {  	v3 =	vadd.s32 v1, v3;
	_ =	sdelay $0x2  }
0x5d: {  	[tilespmem:s17], [sflag:$0x1] =	stream.indirect_vreg.gather [hbm4b:s1+s3], $0x80, v4, vm0, $0xb8;
	[tilespmem:$0xC100] =	vst v63  }
0x5e: {  	_ = 	snop  }
0x5f: {  	[tilespmem:s18], [sflag:$0x1] =	stream.indirect_vreg.gather [hbm4b:s1+s3], $0x80, v3, vm0, $0xb8;
	[tilespmem:$0xC100] =	vst v63  }
0x60: {  	s7 =	rddreg [dreg:$0x5]  }
0x61: {  	[tilespmem:s20], [sflag:$0x3] =	stream.linear.gather [hbm4b:s7+s3], $0x60, $0x38;
	[tilespmem:$0xC100] =	vst v63  }
0x62: {  	_ =	swait.ge [sflag:s5], $0x60  }
0x63: {  	[sflag:s5] =	ssyncset.done $0x0  }
0x64: {  	[sflag:s5] =	ssyncadd.s32 $0xFFFFFFA0  }
0x65: {  	v3 =	vld [tilespmem:$0x80];
	_ =	sdelay $0x4  }
0x66: {  	v34 =	vshll.u32 v3, $0x1  }
0x67: {  	v3 =	vand.u32 $0x7, v3;
	v4 =	vand.u32 $0xFFFFFFF0, v34  }
0x68: {  	v3 =	vor.u32 v3, v4  }
0x69: {  	v4 =	vperm.xlane v3, v0;
	_ =	sdelay $0x1  }
0x6a: {  	v3 =	vperm.xlane v3, v2;
	v4 =	vadd.s32 v1, v4;
	_ =	sdelay $0x1  }
0x6b: {  	v3 =	vadd.s32 v1, v3;
	_ =	sdelay $0x2  }
0x6c: {  	[tilespmem:s6], [sflag:$0x2] =	stream.indirect_vreg.gather [hbm4b:s1+s3], $0x80, v4, vm0, $0xb8;
	[tilespmem:$0xC100] =	vst v63  }
0x6d: {  	_ = 	snop  }
0x6e: {  	[tilespmem:s21], [sflag:$0x2] =	stream.indirect_vreg.gather [hbm4b:s1+s3], $0x80, v3, vm0, $0xb8;
	[tilespmem:$0xC100] =	vst v63  }
0x6f: {  	v3 =	vld [tilespmem:$0x90];
	_ =	sdelay $0x4  }
0x70: {  	v35 =	vshll.u32 v3, $0x1  }
0x71: {  	v3 =	vand.u32 $0x7, v3;
	v4 =	vand.u32 $0xFFFFFFF0, v35  }
0x72: {  	v3 =	vor.u32 v3, v4  }
0x73: {  	v4 =	vperm.xlane v3, v0;
	_ =	sdelay $0x1  }
0x74: {  	v3 =	vperm.xlane v3, v2;
	v4 =	vadd.s32 v1, v4;
	_ =	sdelay $0x1  }
0x75: {  	v3 =	vadd.s32 v1, v3;
	_ =	sdelay $0x2  }
0x76: {  	[tilespmem:s22], [sflag:$0x2] =	stream.indirect_vreg.gather [hbm4b:s1+s3], $0x80, v4, vm0, $0xb8;
	[tilespmem:$0xC100] =	vst v63  }
0x77: {  	_ = 	snop  }
0x78: {  	[tilespmem:s23], [sflag:$0x2] =	stream.indirect_vreg.gather [hbm4b:s1+s3], $0x80, v3, vm0, $0xb8;
	[tilespmem:$0xC100] =	vst v63  }
0x79: {  	v3 =	vld [tilespmem:$0xA0];
	_ =	sdelay $0x4  }
0x7a: {  	v36 =	vshll.u32 v3, $0x1  }
0x7b: {  	v3 =	vand.u32 $0x7, v3;
	v4 =	vand.u32 $0xFFFFFFF0, v36  }
0x7c: {  	v3 =	vor.u32 v3, v4  }
0x7d: {  	v4 =	vperm.xlane v3, v0;
	_ =	sdelay $0x1  }
0x7e: {  	v3 =	vperm.xlane v3, v2;
	v4 =	vadd.s32 v1, v4;
	_ =	sdelay $0x1  }
0x7f: {  	v3 =	vadd.s32 v1, v3;
	_ =	sdelay $0x2  }
0x80: {  	[tilespmem:s24], [sflag:$0x2] =	stream.indirect_vreg.gather [hbm4b:s1+s3], $0x80, v4, vm0, $0xb8;
	[tilespmem:$0xC100] =	vst v63  }
0x81: {  	_ = 	snop  }
0x82: {  	[tilespmem:s25], [sflag:$0x2] =	stream.indirect_vreg.gather [hbm4b:s1+s3], $0x80, v3, vm0, $0xb8;
	[tilespmem:$0xC100] =	vst v63  }
0x83: {  	v3 =	vld [tilespmem:$0xB0];
	_ =	sdelay $0x4  }
0x84: {  	v37 =	vshll.u32 v3, $0x1  }
0x85: {  	v3 =	vand.u32 $0x7, v3;
	v4 =	vand.u32 $0xFFFFFFF0, v37  }
0x86: {  	v3 =	vor.u32 v3, v4  }
0x87: {  	v4 =	vperm.xlane v3, v0;
	_ =	sdelay $0x1  }
0x88: {  	v3 =	vperm.xlane v3, v2;
	v4 =	vadd.s32 v1, v4;
	_ =	sdelay $0x1  }
0x89: {  	v3 =	vadd.s32 v1, v3;
	_ =	sdelay $0x2  }
0x8a: {  	[tilespmem:s26], [sflag:$0x2] =	stream.indirect_vreg.gather [hbm4b:s1+s3], $0x80, v4, vm0, $0xb8;
	[tilespmem:$0xC100] =	vst v63  }
0x8b: {  	_ = 	snop  }
0x8c: {  	[tilespmem:s28], [sflag:$0x2] =	stream.indirect_vreg.gather [hbm4b:s1+s3], $0x80, v3, vm0, $0xb8;
	[tilespmem:$0xC100] =	vst v63  }
0x8d: {  	v3 =	vld [tilespmem:$0xC0];
	_ =	sdelay $0x4  }
0x8e: {  	v38 =	vshll.u32 v3, $0x1  }
0x8f: {  	v3 =	vand.u32 $0x7, v3;
	v4 =	vand.u32 $0xFFFFFFF0, v38  }
0x90: {  	v3 =	vor.u32 v3, v4  }
0x91: {  	v4 =	vperm.xlane v3, v0;
	_ =	sdelay $0x1  }
0x92: {  	v3 =	vperm.xlane v3, v2;
	v4 =	vadd.s32 v1, v4;
	_ =	sdelay $0x1  }
0x93: {  	v3 =	vadd.s32 v1, v3;
	_ =	sdelay $0x2  }
0x94: {  	[tilespmem:s29], [sflag:$0x2] =	stream.indirect_vreg.gather [hbm4b:s1+s3], $0x80, v4, vm0, $0xb8;
	[tilespmem:$0xC100] =	vst v63  }
0x95: {  	_ = 	snop  }
0x96: {  	[tilespmem:s30], [sflag:$0x2] =	stream.indirect_vreg.gather [hbm4b:s1+s3], $0x80, v3, vm0, $0xb8;
	[tilespmem:$0xC100] =	vst v63  }
0x97: {  	v3 =	vld [tilespmem:$0xD0];
	_ =	sdelay $0x4  }
0x98: {  	v39 =	vshll.u32 v3, $0x1  }
0x99: {  	v3 =	vand.u32 $0x7, v3;
	v4 =	vand.u32 $0xFFFFFFF0, v39  }
0x9a: {  	v3 =	vor.u32 v3, v4  }
0x9b: {  	v4 =	vperm.xlane v3, v0;
	_ =	sdelay $0x1  }
0x9c: {  	v3 =	vperm.xlane v3, v2;
	v4 =	vadd.s32 v1, v4;
	_ =	sdelay $0x1  }
0x9d: {  	v3 =	vadd.s32 v1, v3;
	_ =	sdelay $0x2  }
0x9e: {  	[tilespmem:s31], [sflag:$0x2] =	stream.indirect_vreg.gather [hbm4b:s1+s3], $0x80, v4, vm0, $0xb8;
	[tilespmem:$0xC100] =	vst v63  }
0x9f: {  	s7 =	simm.s32 $0xB900  }
0xa0: {  	[tilespmem:s7], [sflag:$0x2] =	stream.indirect_vreg.gather [hbm4b:s1+s3], $0x80, v3, vm0, $0xb8;
	[tilespmem:$0xC100] =	vst v63  }
0xa1: {  	_ =	swait.ge [sflag:s2], $0x6000  }
0xa2: {  	[sflag:s2] =	ssyncset.done $0x0  }
0xa3: {  	s7 =	rddreg [dreg:$0x6];
	[sflag:s2] =	ssyncadd.s32 $0xFFFFA000  }
0xa4: {  	[hbm4b:s7+s3] =	stream.linear.scatter [tilespmem:s19], [sflag:$0x3], $0x6000, $0x38;
	[tilespmem:$0xC100] =	vst v63  }
0xa5: {  	_ =	swait.ge [sflag:s5], $0x6000  }
0xa6: {  	[sflag:s5] =	ssyncset.done $0x0  }
0xa7: {  	s7 =	rddreg [dreg:$0x7];
	[sflag:s5] =	ssyncadd.s32 $0xFFFFA000  }
0xa8: {  	[tilespmem:s3], [sflag:$0x3] =	stream.linear.gather [hbm4b:s7+s3], $0x60, $0x38;
	[tilespmem:$0xC100] =	vst v63  }
0xa9: {  	_ =	swait.ge [sflag:s5], $0x60  }
0xaa: {  	[sflag:s5] =	ssyncset.done $0x0  }
0xab: {  	[sflag:s5] =	ssyncadd.s32 $0xFFFFFFA0  }
0xac: {  	v3 =	vld [tilespmem:$0x0];
	_ =	sdelay $0x4  }
0xad: {  	v40 =	vshll.u32 v3, $0x1  }
0xae: {  	v3 =	vand.u32 $0x7, v3;
	v4 =	vand.u32 $0xFFFFFFF0, v40  }
0xaf: {  	v3 =	vor.u32 v3, v4  }
0xb0: {  	v4 =	vperm.xlane v3, v0;
	_ =	sdelay $0x1  }
0xb1: {  	v3 =	vperm.xlane v3, v2;
	v4 =	vadd.s32 v1, v4;
	_ =	sdelay $0x1  }
0xb2: {  	v3 =	vadd.s32 v1, v3;
	_ =	sdelay $0x2  }
0xb3: {  	[tilespmem:s19], [sflag:$0x1] =	stream.indirect_vreg.gather [hbm4b:s1+s3], $0x80, v4, vm0, $0xb8;
	[tilespmem:$0xC100] =	vst v63  }
0xb4: {  	_ = 	snop  }
0xb5: {  	[tilespmem:s8], [sflag:$0x1] =	stream.indirect_vreg.gather [hbm4b:s1+s3], $0x80, v3, vm0, $0xb8;
	[tilespmem:$0xC100] =	vst v63  }
0xb6: {  	v3 =	vld [tilespmem:$0x10];
	_ =	sdelay $0x4  }
0xb7: {  	v41 =	vshll.u32 v3, $0x1  }
0xb8: {  	v3 =	vand.u32 $0x7, v3;
	v4 =	vand.u32 $0xFFFFFFF0, v41  }
0xb9: {  	v3 =	vor.u32 v3, v4  }
0xba: {  	v4 =	vperm.xlane v3, v0;
	_ =	sdelay $0x1  }
0xbb: {  	v3 =	vperm.xlane v3, v2;
	v4 =	vadd.s32 v1, v4;
	_ =	sdelay $0x1  }
0xbc: {  	v3 =	vadd.s32 v1, v3;
	_ =	sdelay $0x2  }
0xbd: {  	[tilespmem:s9], [sflag:$0x1] =	stream.indirect_vreg.gather [hbm4b:s1+s3], $0x80, v4, vm0, $0xb8;
	[tilespmem:$0xC100] =	vst v63  }
0xbe: {  	_ = 	snop  }
0xbf: {  	[tilespmem:s10], [sflag:$0x1] =	stream.indirect_vreg.gather [hbm4b:s1+s3], $0x80, v3, vm0, $0xb8;
	[tilespmem:$0xC100] =	vst v63  }
0xc0: {  	v3 =	vld [tilespmem:$0x20];
	_ =	sdelay $0x4  }
0xc1: {  	v42 =	vshll.u32 v3, $0x1  }
0xc2: {  	v3 =	vand.u32 $0x7, v3;
	v4 =	vand.u32 $0xFFFFFFF0, v42  }
0xc3: {  	v3 =	vor.u32 v3, v4  }
0xc4: {  	v4 =	vperm.xlane v3, v0;
	_ =	sdelay $0x1  }
0xc5: {  	v3 =	vperm.xlane v3, v2;
	v4 =	vadd.s32 v1, v4;
	_ =	sdelay $0x1  }
0xc6: {  	v3 =	vadd.s32 v1, v3;
	_ =	sdelay $0x2  }
0xc7: {  	[tilespmem:s11], [sflag:$0x1] =	stream.indirect_vreg.gather [hbm4b:s1+s3], $0x80, v4, vm0, $0xb8;
	[tilespmem:$0xC100] =	vst v63  }
0xc8: {  	_ = 	snop  }
0xc9: {  	[tilespmem:s12], [sflag:$0x1] =	stream.indirect_vreg.gather [hbm4b:s1+s3], $0x80, v3, vm0, $0xb8;
	[tilespmem:$0xC100] =	vst v63  }
0xca: {  	v3 =	vld [tilespmem:$0x30];
	_ =	sdelay $0x4  }
0xcb: {  	v43 =	vshll.u32 v3, $0x1  }
0xcc: {  	v3 =	vand.u32 $0x7, v3;
	v4 =	vand.u32 $0xFFFFFFF0, v43  }
0xcd: {  	v3 =	vor.u32 v3, v4  }
0xce: {  	v4 =	vperm.xlane v3, v0;
	_ =	sdelay $0x1  }
0xcf: {  	v3 =	vperm.xlane v3, v2;
	v4 =	vadd.s32 v1, v4;
	_ =	sdelay $0x1  }
0xd0: {  	v3 =	vadd.s32 v1, v3;
	_ =	sdelay $0x2  }
0xd1: {  	[tilespmem:s13], [sflag:$0x1] =	stream.indirect_vreg.gather [hbm4b:s1+s3], $0x80, v4, vm0, $0xb8;
	[tilespmem:$0xC100] =	vst v63  }
0xd2: {  	_ = 	snop  }
0xd3: {  	[tilespmem:s14], [sflag:$0x1] =	stream.indirect_vreg.gather [hbm4b:s1+s3], $0x80, v3, vm0, $0xb8;
	[tilespmem:$0xC100] =	vst v63  }
0xd4: {  	v3 =	vld [tilespmem:$0x40];
	_ =	sdelay $0x4  }
0xd5: {  	v44 =	vshll.u32 v3, $0x1  }
0xd6: {  	v3 =	vand.u32 $0x7, v3;
	v4 =	vand.u32 $0xFFFFFFF0, v44  }
0xd7: {  	v3 =	vor.u32 v3, v4  }
0xd8: {  	v4 =	vperm.xlane v3, v0;
	_ =	sdelay $0x1  }
0xd9: {  	v3 =	vperm.xlane v3, v2;
	v4 =	vadd.s32 v1, v4;
	_ =	sdelay $0x1  }
0xda: {  	v3 =	vadd.s32 v1, v3;
	_ =	sdelay $0x2  }
0xdb: {  	[tilespmem:s15], [sflag:$0x1] =	stream.indirect_vreg.gather [hbm4b:s1+s3], $0x80, v4, vm0, $0xb8;
	[tilespmem:$0xC100] =	vst v63  }
0xdc: {  	_ = 	snop  }
0xdd: {  	[tilespmem:s16], [sflag:$0x1] =	stream.indirect_vreg.gather [hbm4b:s1+s3], $0x80, v3, vm0, $0xb8;
	[tilespmem:$0xC100] =	vst v63  }
0xde: {  	v3 =	vld [tilespmem:$0x50];
	_ =	sdelay $0x4  }
0xdf: {  	v45 =	vshll.u32 v3, $0x1  }
0xe0: {  	v3 =	vand.u32 $0x7, v3;
	v4 =	vand.u32 $0xFFFFFFF0, v45  }
0xe1: {  	v3 =	vor.u32 v3, v4  }
0xe2: {  	v4 =	vperm.xlane v3, v0;
	_ =	sdelay $0x1  }
0xe3: {  	v3 =	vperm.xlane v3, v2;
	v4 =	vadd.s32 v1, v4;
	_ =	sdelay $0x1  }
0xe4: {  	v3 =	vadd.s32 v1, v3;
	_ =	sdelay $0x2  }
0xe5: {  	[tilespmem:s17], [sflag:$0x1] =	stream.indirect_vreg.gather [hbm4b:s1+s3], $0x80, v4, vm0, $0xb8;
	[tilespmem:$0xC100] =	vst v63  }
0xe6: {  	_ = 	snop  }
0xe7: {  	[tilespmem:s18], [sflag:$0x1] =	stream.indirect_vreg.gather [hbm4b:s1+s3], $0x80, v3, vm0, $0xb8;
	[tilespmem:$0xC100] =	vst v63  }
0xe8: {  	_ =	swait.ge [sflag:s0], $0x6000  }
0xe9: {  	[sflag:s0] =	ssyncset.done $0x0  }
0xea: {  	s7 =	rddreg [dreg:$0x8];
	[sflag:s0] =	ssyncadd.s32 $0xFFFFA000  }
0xeb: {  	[hbm4b:s7+s3] =	stream.linear.scatter [tilespmem:s6], [sflag:$0x3], $0x6000, $0x38;
	[tilespmem:$0xC100] =	vst v63  }
0xec: {  	_ =	swait.ge [sflag:s5], $0x6000  }
0xed: {  	[sflag:s5] =	ssyncset.done $0x0  }
0xee: {  	s7 =	rddreg [dreg:$0x9];
	[sflag:s5] =	ssyncadd.s32 $0xFFFFA000  }
0xef: {  	[tilespmem:s20], [sflag:$0x3] =	stream.linear.gather [hbm4b:s7+s3], $0x60, $0x38;
	[tilespmem:$0xC100] =	vst v63  }
0xf0: {  	_ =	swait.ge [sflag:s5], $0x60  }
0xf1: {  	[sflag:s5] =	ssyncset.done $0x0  }
0xf2: {  	[sflag:s5] =	ssyncadd.s32 $0xFFFFFFA0  }
0xf3: {  	v3 =	vld [tilespmem:$0x80];
	_ =	sdelay $0x4  }
0xf4: {  	v46 =	vshll.u32 v3, $0x1  }
0xf5: {  	v3 =	vand.u32 $0x7, v3;
	v4 =	vand.u32 $0xFFFFFFF0, v46  }
0xf6: {  	v3 =	vor.u32 v3, v4  }
0xf7: {  	v4 =	vperm.xlane v3, v0;
	_ =	sdelay $0x1  }
0xf8: {  	v3 =	vperm.xlane v3, v2;
	v4 =	vadd.s32 v1, v4;
	_ =	sdelay $0x1  }
0xf9: {  	v3 =	vadd.s32 v1, v3;
	_ =	sdelay $0x2  }
0xfa: {  	[tilespmem:s6], [sflag:$0x2] =	stream.indirect_vreg.gather [hbm4b:s1+s3], $0x80, v4, vm0, $0xb8;
	[tilespmem:$0xC100] =	vst v63  }
0xfb: {  	_ = 	snop  }
0xfc: {  	[tilespmem:s21], [sflag:$0x2] =	stream.indirect_vreg.gather [hbm4b:s1+s3], $0x80, v3, vm0, $0xb8;
	[tilespmem:$0xC100] =	vst v63  }
0xfd: {  	v3 =	vld [tilespmem:$0x90];
	_ =	sdelay $0x4  }
0xfe: {  	v47 =	vshll.u32 v3, $0x1  }
0xff: {  	v3 =	vand.u32 $0x7, v3;
	v4 =	vand.u32 $0xFFFFFFF0, v47  }
0x100: {  	v3 =	vor.u32 v3, v4  }
0x101: {  	v4 =	vperm.xlane v3, v0;
	_ =	sdelay $0x1  }
0x102: {  	v3 =	vperm.xlane v3, v2;
	v4 =	vadd.s32 v1, v4;
	_ =	sdelay $0x1  }
0x103: {  	v3 =	vadd.s32 v1, v3;
	_ =	sdelay $0x2  }
0x104: {  	[tilespmem:s22], [sflag:$0x2] =	stream.indirect_vreg.gather [hbm4b:s1+s3], $0x80, v4, vm0, $0xb8;
	[tilespmem:$0xC100] =	vst v63  }
0x105: {  	_ = 	snop  }
0x106: {  	[tilespmem:s23], [sflag:$0x2] =	stream.indirect_vreg.gather [hbm4b:s1+s3], $0x80, v3, vm0, $0xb8;
	[tilespmem:$0xC100] =	vst v63  }
0x107: {  	v3 =	vld [tilespmem:$0xA0];
	_ =	sdelay $0x4  }
0x108: {  	v48 =	vshll.u32 v3, $0x1  }
0x109: {  	v3 =	vand.u32 $0x7, v3;
	v4 =	vand.u32 $0xFFFFFFF0, v48  }
0x10a: {  	v3 =	vor.u32 v3, v4  }
0x10b: {  	v4 =	vperm.xlane v3, v0;
	_ =	sdelay $0x1  }
0x10c: {  	v3 =	vperm.xlane v3, v2;
	v4 =	vadd.s32 v1, v4;
	_ =	sdelay $0x1  }
0x10d: {  	v3 =	vadd.s32 v1, v3;
	_ =	sdelay $0x2  }
0x10e: {  	[tilespmem:s24], [sflag:$0x2] =	stream.indirect_vreg.gather [hbm4b:s1+s3], $0x80, v4, vm0, $0xb8;
	[tilespmem:$0xC100] =	vst v63  }
0x10f: {  	_ = 	snop  }
0x110: {  	[tilespmem:s25], [sflag:$0x2] =	stream.indirect_vreg.gather [hbm4b:s1+s3], $0x80, v3, vm0, $0xb8;
	[tilespmem:$0xC100] =	vst v63  }
0x111: {  	v3 =	vld [tilespmem:$0xB0];
	_ =	sdelay $0x4  }
0x112: {  	v49 =	vshll.u32 v3, $0x1  }
0x113: {  	v3 =	vand.u32 $0x7, v3;
	v4 =	vand.u32 $0xFFFFFFF0, v49  }
0x114: {  	v3 =	vor.u32 v3, v4  }
0x115: {  	v4 =	vperm.xlane v3, v0;
	_ =	sdelay $0x1  }
0x116: {  	v3 =	vperm.xlane v3, v2;
	v4 =	vadd.s32 v1, v4;
	_ =	sdelay $0x1  }
0x117: {  	v3 =	vadd.s32 v1, v3;
	_ =	sdelay $0x2  }
0x118: {  	[tilespmem:s26], [sflag:$0x2] =	stream.indirect_vreg.gather [hbm4b:s1+s3], $0x80, v4, vm0, $0xb8;
	[tilespmem:$0xC100] =	vst v63  }
0x119: {  	_ = 	snop  }
0x11a: {  	[tilespmem:s28], [sflag:$0x2] =	stream.indirect_vreg.gather [hbm4b:s1+s3], $0x80, v3, vm0, $0xb8;
	[tilespmem:$0xC100] =	vst v63  }
0x11b: {  	v3 =	vld [tilespmem:$0xC0];
	_ =	sdelay $0x4  }
0x11c: {  	v50 =	vshll.u32 v3, $0x1  }
0x11d: {  	v3 =	vand.u32 $0x7, v3;
	v4 =	vand.u32 $0xFFFFFFF0, v50  }
0x11e: {  	v3 =	vor.u32 v3, v4  }
0x11f: {  	v4 =	vperm.xlane v3, v0;
	_ =	sdelay $0x1  }
0x120: {  	v3 =	vperm.xlane v3, v2;
	v4 =	vadd.s32 v1, v4;
	_ =	sdelay $0x1  }
0x121: {  	v3 =	vadd.s32 v1, v3;
	_ =	sdelay $0x2  }
0x122: {  	[tilespmem:s29], [sflag:$0x2] =	stream.indirect_vreg.gather [hbm4b:s1+s3], $0x80, v4, vm0, $0xb8;
	[tilespmem:$0xC100] =	vst v63  }
0x123: {  	_ = 	snop  }
0x124: {  	[tilespmem:s30], [sflag:$0x2] =	stream.indirect_vreg.gather [hbm4b:s1+s3], $0x80, v3, vm0, $0xb8;
	[tilespmem:$0xC100] =	vst v63  }
0x125: {  	v3 =	vld [tilespmem:$0xD0];
	_ =	sdelay $0x4  }
0x126: {  	v51 =	vshll.u32 v3, $0x1  }
0x127: {  	v3 =	vand.u32 $0x7, v3;
	v4 =	vand.u32 $0xFFFFFFF0, v51  }
0x128: {  	v3 =	vor.u32 v3, v4  }
0x129: {  	v4 =	vperm.xlane v3, v0;
	_ =	sdelay $0x1  }
0x12a: {  	v3 =	vperm.xlane v3, v2;
	v4 =	vadd.s32 v1, v4;
	_ =	sdelay $0x1  }
0x12b: {  	v3 =	vadd.s32 v1, v3;
	_ =	sdelay $0x2  }
0x12c: {  	[tilespmem:s31], [sflag:$0x2] =	stream.indirect_vreg.gather [hbm4b:s1+s3], $0x80, v4, vm0, $0xb8;
	[tilespmem:$0xC100] =	vst v63  }
0x12d: {  	s7 =	simm.s32 $0xB900  }
0x12e: {  	[tilespmem:s7], [sflag:$0x2] =	stream.indirect_vreg.gather [hbm4b:s1+s3], $0x80, v3, vm0, $0xb8;
	[tilespmem:$0xC100] =	vst v63  }
0x12f: {  	_ =	swait.ge [sflag:s2], $0x6000  }
0x130: {  	[sflag:s2] =	ssyncset.done $0x0  }
0x131: {  	s7 =	rddreg [dreg:$0xa];
	[sflag:s2] =	ssyncadd.s32 $0xFFFFA000  }
0x132: {  	[hbm4b:s7+s3] =	stream.linear.scatter [tilespmem:s19], [sflag:$0x3], $0x6000, $0x38;
	[tilespmem:$0xC100] =	vst v63  }
0x133: {  	_ =	swait.ge [sflag:s5], $0x6000  }
0x134: {  	[sflag:s5] =	ssyncset.done $0x0  }
0x135: {  	s7 =	rddreg [dreg:$0xb];
	[sflag:s5] =	ssyncadd.s32 $0xFFFFA000  }
0x136: {  	[tilespmem:s3], [sflag:$0x3] =	stream.linear.gather [hbm4b:s7+s3], $0x60, $0x38;
	[tilespmem:$0xC100] =	vst v63  }
0x137: {  	_ =	swait.ge [sflag:s5], $0x60  }
0x138: {  	[sflag:s5] =	ssyncset.done $0x0  }
0x139: {  	[sflag:s5] =	ssyncadd.s32 $0xFFFFFFA0  }
0x13a: {  	v3 =	vld [tilespmem:$0x0];
	_ =	sdelay $0x4  }
0x13b: {  	v52 =	vshll.u32 v3, $0x1  }
0x13c: {  	v3 =	vand.u32 $0x7, v3;
	v4 =	vand.u32 $0xFFFFFFF0, v52  }
0x13d: {  	v3 =	vor.u32 v3, v4  }
0x13e: {  	v4 =	vperm.xlane v3, v0;
	_ =	sdelay $0x1  }
0x13f: {  	v3 =	vperm.xlane v3, v2;
	v4 =	vadd.s32 v1, v4;
	_ =	sdelay $0x1  }
0x140: {  	v3 =	vadd.s32 v1, v3;
	_ =	sdelay $0x2  }
0x141: {  	[tilespmem:s19], [sflag:$0x1] =	stream.indirect_vreg.gather [hbm4b:s1+s3], $0x80, v4, vm0, $0xb8;
	[tilespmem:$0xC100] =	vst v63  }
0x142: {  	_ = 	snop  }
0x143: {  	[tilespmem:s8], [sflag:$0x1] =	stream.indirect_vreg.gather [hbm4b:s1+s3], $0x80, v3, vm0, $0xb8;
	[tilespmem:$0xC100] =	vst v63  }
0x144: {  	v3 =	vld [tilespmem:$0x10];
	_ =	sdelay $0x4  }
0x145: {  	v53 =	vshll.u32 v3, $0x1  }
0x146: {  	v3 =	vand.u32 $0x7, v3;
	v4 =	vand.u32 $0xFFFFFFF0, v53  }
0x147: {  	v3 =	vor.u32 v3, v4  }
0x148: {  	v4 =	vperm.xlane v3, v0;
	_ =	sdelay $0x1  }
0x149: {  	v3 =	vperm.xlane v3, v2;
	v4 =	vadd.s32 v1, v4;
	_ =	sdelay $0x1  }
0x14a: {  	v3 =	vadd.s32 v1, v3;
	_ =	sdelay $0x2  }
0x14b: {  	[tilespmem:s9], [sflag:$0x1] =	stream.indirect_vreg.gather [hbm4b:s1+s3], $0x80, v4, vm0, $0xb8;
	[tilespmem:$0xC100] =	vst v63  }
0x14c: {  	_ = 	snop  }
0x14d: {  	[tilespmem:s10], [sflag:$0x1] =	stream.indirect_vreg.gather [hbm4b:s1+s3], $0x80, v3, vm0, $0xb8;
	[tilespmem:$0xC100] =	vst v63  }
0x14e: {  	v3 =	vld [tilespmem:$0x20];
	_ =	sdelay $0x4  }
0x14f: {  	v54 =	vshll.u32 v3, $0x1  }
0x150: {  	v3 =	vand.u32 $0x7, v3;
	v4 =	vand.u32 $0xFFFFFFF0, v54  }
0x151: {  	v3 =	vor.u32 v3, v4  }
0x152: {  	v4 =	vperm.xlane v3, v0;
	_ =	sdelay $0x1  }
0x153: {  	v3 =	vperm.xlane v3, v2;
	v4 =	vadd.s32 v1, v4;
	_ =	sdelay $0x1  }
0x154: {  	v3 =	vadd.s32 v1, v3;
	_ =	sdelay $0x2  }
0x155: {  	[tilespmem:s11], [sflag:$0x1] =	stream.indirect_vreg.gather [hbm4b:s1+s3], $0x80, v4, vm0, $0xb8;
	[tilespmem:$0xC100] =	vst v63  }
0x156: {  	_ = 	snop  }
0x157: {  	[tilespmem:s12], [sflag:$0x1] =	stream.indirect_vreg.gather [hbm4b:s1+s3], $0x80, v3, vm0, $0xb8;
	[tilespmem:$0xC100] =	vst v63  }
0x158: {  	v3 =	vld [tilespmem:$0x30];
	_ =	sdelay $0x4  }
0x159: {  	v55 =	vshll.u32 v3, $0x1  }
0x15a: {  	v3 =	vand.u32 $0x7, v3;
	v4 =	vand.u32 $0xFFFFFFF0, v55  }
0x15b: {  	v3 =	vor.u32 v3, v4  }
0x15c: {  	v4 =	vperm.xlane v3, v0;
	_ =	sdelay $0x1  }
0x15d: {  	v3 =	vperm.xlane v3, v2;
	v4 =	vadd.s32 v1, v4;
	_ =	sdelay $0x1  }
0x15e: {  	v3 =	vadd.s32 v1, v3;
	_ =	sdelay $0x2  }
0x15f: {  	[tilespmem:s13], [sflag:$0x1] =	stream.indirect_vreg.gather [hbm4b:s1+s3], $0x80, v4, vm0, $0xb8;
	[tilespmem:$0xC100] =	vst v63  }
0x160: {  	_ = 	snop  }
0x161: {  	[tilespmem:s14], [sflag:$0x1] =	stream.indirect_vreg.gather [hbm4b:s1+s3], $0x80, v3, vm0, $0xb8;
	[tilespmem:$0xC100] =	vst v63  }
0x162: {  	v3 =	vld [tilespmem:$0x40];
	_ =	sdelay $0x4  }
0x163: {  	v56 =	vshll.u32 v3, $0x1  }
0x164: {  	v3 =	vand.u32 $0x7, v3;
	v4 =	vand.u32 $0xFFFFFFF0, v56  }
0x165: {  	v3 =	vor.u32 v3, v4  }
0x166: {  	v4 =	vperm.xlane v3, v0;
	_ =	sdelay $0x1  }
0x167: {  	v3 =	vperm.xlane v3, v2;
	v4 =	vadd.s32 v1, v4;
	_ =	sdelay $0x1  }
0x168: {  	v3 =	vadd.s32 v1, v3;
	_ =	sdelay $0x2  }
0x169: {  	[tilespmem:s15], [sflag:$0x1] =	stream.indirect_vreg.gather [hbm4b:s1+s3], $0x80, v4, vm0, $0xb8;
	[tilespmem:$0xC100] =	vst v63  }
0x16a: {  	_ = 	snop  }
0x16b: {  	[tilespmem:s16], [sflag:$0x1] =	stream.indirect_vreg.gather [hbm4b:s1+s3], $0x80, v3, vm0, $0xb8;
	[tilespmem:$0xC100] =	vst v63  }
0x16c: {  	v3 =	vld [tilespmem:$0x50];
	_ =	sdelay $0x4  }
0x16d: {  	v57 =	vshll.u32 v3, $0x1  }
0x16e: {  	v3 =	vand.u32 $0x7, v3;
	v4 =	vand.u32 $0xFFFFFFF0, v57  }
0x16f: {  	v3 =	vor.u32 v3, v4  }
0x170: {  	v4 =	vperm.xlane v3, v0;
	_ =	sdelay $0x1  }
0x171: {  	v3 =	vperm.xlane v3, v2;
	v4 =	vadd.s32 v1, v4;
	_ =	sdelay $0x1  }
0x172: {  	v3 =	vadd.s32 v1, v3;
	_ =	sdelay $0x2  }
0x173: {  	[tilespmem:s17], [sflag:$0x1] =	stream.indirect_vreg.gather [hbm4b:s1+s3], $0x80, v4, vm0, $0xb8;
	[tilespmem:$0xC100] =	vst v63  }
0x174: {  	_ = 	snop  }
0x175: {  	[tilespmem:s18], [sflag:$0x1] =	stream.indirect_vreg.gather [hbm4b:s1+s3], $0x80, v3, vm0, $0xb8;
	[tilespmem:$0xC100] =	vst v63  }
0x176: {  	_ =	swait.ge [sflag:s0], $0x6000  }
0x177: {  	[sflag:s0] =	ssyncset.done $0x0  }
0x178: {  	s7 =	rddreg [dreg:$0xc];
	[sflag:s0] =	ssyncadd.s32 $0xFFFFA000  }
0x179: {  	[hbm4b:s7+s3] =	stream.linear.scatter [tilespmem:s6], [sflag:$0x3], $0x6000, $0x38;
	[tilespmem:$0xC100] =	vst v63  }
0x17a: {  	_ =	swait.ge [sflag:s5], $0x6000  }
0x17b: {  	[sflag:s5] =	ssyncset.done $0x0  }
0x17c: {  	s7 =	rddreg [dreg:$0xd];
	[sflag:s5] =	ssyncadd.s32 $0xFFFFA000  }
0x17d: {  	[tilespmem:s20], [sflag:$0x3] =	stream.linear.gather [hbm4b:s7+s3], $0x60, $0x38;
	[tilespmem:$0xC100] =	vst v63  }
0x17e: {  	_ =	swait.ge [sflag:s5], $0x60  }
0x17f: {  	[sflag:s5] =	ssyncset.done $0x0  }
0x180: {  	[sflag:s5] =	ssyncadd.s32 $0xFFFFFFA0  }
0x181: {  	v3 =	vld [tilespmem:$0x80];
	_ =	sdelay $0x4  }
0x182: {  	v58 =	vshll.u32 v3, $0x1  }
0x183: {  	v3 =	vand.u32 $0x7, v3;
	v4 =	vand.u32 $0xFFFFFFF0, v58  }
0x184: {  	v3 =	vor.u32 v3, v4  }
0x185: {  	v4 =	vperm.xlane v3, v0;
	_ =	sdelay $0x1  }
0x186: {  	v3 =	vperm.xlane v3, v2;
	v4 =	vadd.s32 v1, v4;
	_ =	sdelay $0x1  }
0x187: {  	v3 =	vadd.s32 v1, v3;
	_ =	sdelay $0x2  }
0x188: {  	[tilespmem:s6], [sflag:$0x2] =	stream.indirect_vreg.gather [hbm4b:s1+s3], $0x80, v4, vm0, $0xb8;
	[tilespmem:$0xC100] =	vst v63  }
0x189: {  	_ = 	snop  }
0x18a: {  	[tilespmem:s21], [sflag:$0x2] =	stream.indirect_vreg.gather [hbm4b:s1+s3], $0x80, v3, vm0, $0xb8;
	[tilespmem:$0xC100] =	vst v63  }
0x18b: {  	v3 =	vld [tilespmem:$0x90];
	_ =	sdelay $0x4  }
0x18c: {  	v59 =	vshll.u32 v3, $0x1  }
0x18d: {  	v3 =	vand.u32 $0x7, v3;
	v4 =	vand.u32 $0xFFFFFFF0, v59  }
0x18e: {  	v3 =	vor.u32 v3, v4  }
0x18f: {  	v4 =	vperm.xlane v3, v0;
	_ =	sdelay $0x1  }
0x190: {  	v3 =	vperm.xlane v3, v2;
	v4 =	vadd.s32 v1, v4;
	_ =	sdelay $0x1  }
0x191: {  	v3 =	vadd.s32 v1, v3;
	_ =	sdelay $0x2  }
0x192: {  	[tilespmem:s22], [sflag:$0x2] =	stream.indirect_vreg.gather [hbm4b:s1+s3], $0x80, v4, vm0, $0xb8;
	[tilespmem:$0xC100] =	vst v63  }
0x193: {  	_ = 	snop  }
0x194: {  	[tilespmem:s23], [sflag:$0x2] =	stream.indirect_vreg.gather [hbm4b:s1+s3], $0x80, v3, vm0, $0xb8;
	[tilespmem:$0xC100] =	vst v63  }
0x195: {  	v3 =	vld [tilespmem:$0xA0];
	_ =	sdelay $0x4  }
0x196: {  	v60 =	vshll.u32 v3, $0x1  }
0x197: {  	v3 =	vand.u32 $0x7, v3;
	v4 =	vand.u32 $0xFFFFFFF0, v60  }
0x198: {  	v3 =	vor.u32 v3, v4  }
0x199: {  	v4 =	vperm.xlane v3, v0;
	_ =	sdelay $0x1  }
0x19a: {  	v3 =	vperm.xlane v3, v2;
	v4 =	vadd.s32 v1, v4;
	_ =	sdelay $0x1  }
0x19b: {  	v3 =	vadd.s32 v1, v3;
	_ =	sdelay $0x2  }
0x19c: {  	[tilespmem:s24], [sflag:$0x2] =	stream.indirect_vreg.gather [hbm4b:s1+s3], $0x80, v4, vm0, $0xb8;
	[tilespmem:$0xC100] =	vst v63  }
0x19d: {  	_ = 	snop  }
0x19e: {  	[tilespmem:s25], [sflag:$0x2] =	stream.indirect_vreg.gather [hbm4b:s1+s3], $0x80, v3, vm0, $0xb8;
	[tilespmem:$0xC100] =	vst v63  }
0x19f: {  	v3 =	vld [tilespmem:$0xB0];
	_ =	sdelay $0x4  }
0x1a0: {  	v61 =	vshll.u32 v3, $0x1  }
0x1a1: {  	v3 =	vand.u32 $0x7, v3;
	v4 =	vand.u32 $0xFFFFFFF0, v61  }
0x1a2: {  	v3 =	vor.u32 v3, v4  }
0x1a3: {  	v4 =	vperm.xlane v3, v0;
	_ =	sdelay $0x1  }
0x1a4: {  	v3 =	vperm.xlane v3, v2;
	v4 =	vadd.s32 v1, v4;
	_ =	sdelay $0x1  }
0x1a5: {  	v3 =	vadd.s32 v1, v3;
	_ =	sdelay $0x2  }
0x1a6: {  	[tilespmem:s26], [sflag:$0x2] =	stream.indirect_vreg.gather [hbm4b:s1+s3], $0x80, v4, vm0, $0xb8;
	[tilespmem:$0xC100] =	vst v63  }
0x1a7: {  	_ = 	snop  }
0x1a8: {  	[tilespmem:s28], [sflag:$0x2] =	stream.indirect_vreg.gather [hbm4b:s1+s3], $0x80, v3, vm0, $0xb8;
	[tilespmem:$0xC100] =	vst v63  }
0x1a9: {  	v3 =	vld [tilespmem:$0xC0];
	_ =	sdelay $0x4  }
0x1aa: {  	v62 =	vshll.u32 v3, $0x1  }
0x1ab: {  	v3 =	vand.u32 $0x7, v3;
	v4 =	vand.u32 $0xFFFFFFF0, v62  }
0x1ac: {  	v3 =	vor.u32 v3, v4  }
0x1ad: {  	v4 =	vperm.xlane v3, v0;
	_ =	sdelay $0x1  }
0x1ae: {  	v3 =	vperm.xlane v3, v2;
	v4 =	vadd.s32 v1, v4;
	_ =	sdelay $0x1  }
0x1af: {  	v3 =	vadd.s32 v1, v3;
	_ =	sdelay $0x2  }
0x1b0: {  	[tilespmem:s29], [sflag:$0x2] =	stream.indirect_vreg.gather [hbm4b:s1+s3], $0x80, v4, vm0, $0xb8;
	[tilespmem:$0xC100] =	vst v63  }
0x1b1: {  	_ = 	snop  }
0x1b2: {  	[tilespmem:s30], [sflag:$0x2] =	stream.indirect_vreg.gather [hbm4b:s1+s3], $0x80, v3, vm0, $0xb8;
	[tilespmem:$0xC100] =	vst v63  }
0x1b3: {  	v3 =	vld [tilespmem:$0xD0];
	_ =	sdelay $0x4  }
0x1b4: {  	v63 =	vshll.u32 v3, $0x1  }
0x1b5: {  	v3 =	vand.u32 $0x7, v3;
	v4 =	vand.u32 $0xFFFFFFF0, v63  }
0x1b6: {  	v3 =	vor.u32 v3, v4  }
0x1b7: {  	v4 =	vperm.xlane v3, v0;
	_ =	sdelay $0x1  }
0x1b8: {  	v3 =	vperm.xlane v3, v2;
	v4 =	vadd.s32 v1, v4;
	_ =	sdelay $0x1  }
0x1b9: {  	v3 =	vadd.s32 v1, v3;
	_ =	sdelay $0x2  }
0x1ba: {  	[tilespmem:s31], [sflag:$0x2] =	stream.indirect_vreg.gather [hbm4b:s1+s3], $0x80, v4, vm0, $0xb8;
	[tilespmem:$0xC100] =	vst v63  }
0x1bb: {  	s7 =	simm.s32 $0xB900  }
0x1bc: {  	[tilespmem:s7], [sflag:$0x2] =	stream.indirect_vreg.gather [hbm4b:s1+s3], $0x80, v3, vm0, $0xb8;
	[tilespmem:$0xC100] =	vst v63  }
0x1bd: {  	_ =	swait.ge [sflag:s2], $0x6000  }
0x1be: {  	[sflag:s2] =	ssyncset.done $0x0  }
0x1bf: {  	s7 =	rddreg [dreg:$0xe];
	[sflag:s2] =	ssyncadd.s32 $0xFFFFA000  }
0x1c0: {  	[hbm4b:s7+s3] =	stream.linear.scatter [tilespmem:s19], [sflag:$0x3], $0x6000, $0x38;
	[tilespmem:$0xC100] =	vst v63  }
0x1c1: {  	_ =	swait.ge [sflag:s5], $0x6000  }
0x1c2: {  	[sflag:s5] =	ssyncset.done $0x0  }
0x1c3: {  	[sflag:s5] =	ssyncadd.s32 $0xFFFFA000  }
0x1c4: {  	_ =	swait.ge [sflag:s0], $0x6000  }
0x1c5: {  	p0 =	sne.s32 s4, $0x1;
	[sflag:s0] =	ssyncset.done $0x0  }
.Ltmp0:
0x1c6: {  	s7 =	rddreg [dreg:$0xf];
	[sflag:s0] =	ssyncadd.s32 $0xFFFFA000;
	(pc) =	sbr.rel @p0 .LBB2_1-.Ltmp0, $4  }
0x1c7: {  	[hbm4b:s7+s3] =	stream.linear.scatter [tilespmem:s6], [sflag:$0x3], $0x6000, $0x38;
	[tilespmem:$0xC100] =	vst v63  }
0x1c8: {  	_ =	swait.ge [sflag:s5], $0x6000  }
0x1c9: {  	[sflag:s5] =	ssyncset.done $0x0  }
0x1ca: {  	s4 =	sadd.s32 $0xFFFFFFFF, s4;
	[sflag:s5] =	ssyncadd.s32 $0xFFFFA000  }
0x1cb: {  	_ =	sfence.sel $0x180000  }
0x1cc: {  	[bflag:$0x0] =	sbarrier.arrive $0xFFFF  }
0x1cd: {  	_ =	strace $0x90000047  }
0x1ce: {  	s0 =	stileid.u32;
	[bflag:$0x2] =	sbarrier.arrive $0xFFFF  }
0x1cf: {  	p0 =	sne.s32 s0, $0x0;
	s0 =	rddreg [dreg:$0x3]  }
0x1d0: {  	s0 =	sadd.s32 @!p0 $0x100000, s0  }
0x1d1: {  	[sflag:s0] =	ssyncadd.tile.s32 @!p0 $0x1;
	_ =	shalt  }
.Lfunc_end2:
_tile_overlayer_lowered:
.L_overlay_start_2:
0x1d2: {  	(tag) =	ssettag $0x2  }
0x1d3: {  	s0 =	rddreg [dreg:$0x0];
	s2 =	stileid.u32  }
0x1d4: {  	s1 =	rddreg [dreg:$0x1];
	p0 =	sne.s32 s2, $0x0  }
0x1d5: {  	s3 =	rddreg [dreg:$0x2];
	[bflag:$0x3] =	sbarrier.arrive $0xFFFF;
	s2 =	simm.s32 @!p0 $0x1C03  }
0x1d6: {  	[timem:s3], [sflag:s2] =	dma.local @!p0 [hbm:s0], s1  }
0x1d7: {  	s0 =	simm.s32 @!p0 $0x3  }
0x1d8: {  	_ =	swait.ge @!p0 [sflag:s0], s1  }
0x1d9: {  	s1 =	ssub.s32 @!p0 $0x0, s1;
	[sflag:s0] =	ssyncset.done @!p0 $0x0  }
0x1da: {  	[sflag:s0] =	ssyncadd.s32 @!p0 s1  }
0x1db: {  	[bflag:$0x3] =	sbarrier.arrive $0xFFFF  }
0x1dc: {  	_ =	shalt  }

</sc_bundles>
